<compile_context>
chip_gen: v7x
topology: tpu7x:2x2x1
jax: 0.10.2.dev20260603
libtpu: 0.0.44.dev20260713+nightly
codegen_flags: <defaults>
</compile_context>

<pallas_src>
import functools

import jax
import jax.numpy as jnp
from jax import lax
from jax.experimental import pallas as pl
from jax.experimental.pallas import tpu as pltpu
from jax.experimental.pallas import tpu_sc as plsc

N = 10000
D = 128
NC = 2
NS = 16
NW = NC * NS
K = 128
N_PAD = 10240
RPT = N_PAD // NS
RCH = RPT // K


def _sc_aggregate(x, src, dst, zeros_f32, ones_f32, e_pad):
    cpt = e_pad // (NW * K)
    mesh = plsc.VectorSubcoreMesh(core_axis_name="c", subcore_axis_name="s")

    @functools.partial(
        pl.kernel,
        out_type=(
            jax.ShapeDtypeStruct((NC, N_PAD, D), jnp.float32),
            jax.ShapeDtypeStruct((NC, N_PAD, D), jnp.float32),
        ),
        mesh=mesh,
        scratch_types=[
            pltpu.VMEM((K,), jnp.int32),
            pltpu.VMEM((K,), jnp.int32),
            pltpu.VMEM((K, D), jnp.float32),
            pltpu.VMEM((K, D), jnp.float32),
            pltpu.VMEM_SHARED((N_PAD, D), jnp.float32),
            pltpu.SemaphoreType.DMA,
        ],
    )
    def agg_kernel(x_hbm, src_hbm, dst_hbm, zf_hbm, ones_hbm,
                   agg_out, deg_out,
                   src_v, dst_v, rows_v, ones_v, acc_sh, sem):
        cid = lax.axis_index("c")
        sid = lax.axis_index("s")
        wid = cid * NS + sid

        def zero_chunk(i, carry):
            r0 = sid * RPT + i * K
            pltpu.sync_copy(zf_hbm.at[pl.ds(i * K, K)], rows_v)
            pltpu.sync_copy(rows_v, acc_sh.at[pl.ds(r0, K)])
            return carry

        def dump_chunk(out_ref):
            def f(i, carry):
                r0 = sid * RPT + i * K
                pltpu.sync_copy(acc_sh.at[pl.ds(r0, K)], rows_v)
                pltpu.sync_copy(rows_v, out_ref.at[cid, pl.ds(r0, K)])
                return carry
            return f

        lax.fori_loop(0, RCH, zero_chunk, 0)
        pltpu.sync_copy(ones_hbm, ones_v)
        plsc.subcore_barrier()

        def agg_body(c, carry):
            base = (wid * cpt + c) * K
            pltpu.sync_copy(src_hbm.at[pl.ds(base, K)], src_v)
            pltpu.sync_copy(dst_hbm.at[pl.ds(base, K)], dst_v)
            pltpu.async_copy(x_hbm.at[src_v], rows_v, sem).wait()
            pltpu.sync_copy(rows_v, acc_sh.at[dst_v], add=True)
            return carry

        lax.fori_loop(0, cpt, agg_body, 0)
        plsc.subcore_barrier()
        lax.fori_loop(0, RCH, dump_chunk(agg_out), 0)
        plsc.subcore_barrier()

        lax.fori_loop(0, RCH, zero_chunk, 0)
        plsc.subcore_barrier()

        def deg_body(c, carry):
            base = (wid * cpt + c) * K
            pltpu.sync_copy(dst_hbm.at[pl.ds(base, K)], dst_v)
            pltpu.sync_copy(ones_v, acc_sh.at[dst_v], add=True)
            return carry

        lax.fori_loop(0, cpt, deg_body, 0)
        plsc.subcore_barrier()
        lax.fori_loop(0, RCH, dump_chunk(deg_out), 0)

    return agg_kernel(x, src, dst, zeros_f32, ones_f32)


def _tc_dense(x, agg0, agg1, deg0, deg1, w_self, w_neigh, b2d):
    blk = 2000
    grid = (N // blk,)

    def body(x_ref, a0_ref, a1_ref, d0_ref, d1_ref, ws_ref, wn_ref, b_ref,
             o_ref):
        xb = x_ref[...]
        agg = a0_ref[...] + a1_ref[...]
        deg = d0_ref[...] + d1_ref[...]
        degc = jnp.clip(deg[:, 0:1], 1.0, None)
        out = (jnp.dot(xb, ws_ref[...], preferred_element_type=jnp.float32)
               + jnp.dot(agg / degc, wn_ref[...],
                         preferred_element_type=jnp.float32)
               + b_ref[...])
        o_ref[...] = jnp.maximum(jnp.maximum(out, 0.0), xb)

    row_spec = pl.BlockSpec((blk, D), lambda i: (i, 0))
    full_spec = pl.BlockSpec((D, D), lambda i: (0, 0))
    bias_spec = pl.BlockSpec((1, D), lambda i: (0, 0))

    return pl.pallas_call(
        body,
        grid=grid,
        in_specs=[row_spec, row_spec, row_spec, row_spec, row_spec,
                  full_spec, full_spec, bias_spec],
        out_specs=row_spec,
        out_shape=jax.ShapeDtypeStruct((N, D), jnp.float32),
    )(x, agg0, agg1, deg0, deg1, w_self, w_neigh, b2d)


def kernel(x, edge_index, W_self, W_neigh, b):
    src = edge_index[0].astype(jnp.int32)
    dst = edge_index[1].astype(jnp.int32)
    e = src.shape[0]
    epp = NW * K
    e_pad = ((e + epp - 1) // epp) * epp
    pad = e_pad - e
    if pad:
        src = jnp.concatenate([src, jnp.zeros((pad,), jnp.int32)])
        dst = jnp.concatenate([dst, jnp.full((pad,), N, jnp.int32)])
    zeros_f32 = jnp.zeros((K * RCH, D), jnp.float32)
    ones_f32 = jnp.ones((K, D), jnp.float32)

    aggp, degp = _sc_aggregate(x, src, dst, zeros_f32, ones_f32, e_pad)
    return _tc_dense(x, aggp[0, :N], aggp[1, :N], degp[0, :N], degp[1, :N],
                     W_self, W_neigh, b.reshape(1, D))

# --- scband reference (transcript-rebuilt; emitter-appended) ---
"""Pipeline reference for scband-graph-table-net-54872502174376 (READ-ONLY COPY).

The authoritative reference and input builder live on the scoring server;
editing this copy changes nothing except your own understanding.
"""

import jax, jax.numpy as jnp
import numpy as np

N_NODES = 10000
N_EDGES = 320000
D_IN = 128
D_OUT = 128

def setup_inputs(seed: int = 0) -> dict:
    key = jax.random.key(seed)
    k1, k2, k3, k4, k5 = jax.random.split(key, 5)
    x = jax.random.normal(k1, (N_NODES, D_IN), dtype=jnp.float32)
    edge_index = jax.random.randint(k2, (2, N_EDGES), 0, N_NODES, dtype=jnp.int64)
    scale = 1.0 / np.sqrt(D_IN)
    W_self = jax.random.normal(k3, (D_IN, D_OUT), dtype=jnp.float32) * scale
    W_neigh = jax.random.normal(k4, (D_IN, D_OUT), dtype=jnp.float32) * scale
    b = jax.random.normal(k5, (D_OUT,), dtype=jnp.float32) * 0.01
    return {"x": x, "edge_index": edge_index, "W_self": W_self, "W_neigh": W_neigh, "b": b}

def reference(x, edge_index, W_self, W_neigh, b):
    # GNN message passing layer (GraphConv-style, as in GraphTableNet's graph modules):
    # gather source node features along edges, scatter-add into destination nodes,
    # normalize by in-degree (mean aggregation), then linear transform + ReLU.
    src = edge_index[0]
    dst = edge_index[1]
    msgs = jnp.take(x, src, axis=0)                                  # gather  [E, D_IN]
    agg = jax.ops.segment_sum(msgs, dst, num_segments=N_NODES)       # scatter-add [N, D_IN]
    deg = jax.ops.segment_sum(jnp.ones((src.shape[0],), dtype=x.dtype), dst, num_segments=N_NODES)
    agg = agg / jnp.clip(deg, 1.0, None)[:, None]                    # mean aggregation
    out = jnp.dot(x, W_self) + jnp.dot(agg, W_neigh) + b
    out = jax.nn.relu(out)
    # residual-style max fusion as in GraphBase.forward (torch.maximum(feat, input_feat))
    out = jnp.maximum(out, x)
    return out

if __name__ == "__main__":
    import jax
    _d = setup_inputs()
    print(jax.jit(kernel)(*tuple(_d.values())))

</pallas_src>

<mosaic_0001>
#map = affine_map<(d0, d1) -> (0, 0)>
#map1 = affine_map<(d0, d1) -> (0)>
#map2 = affine_map<(d0, d1) -> (0, 0, 0)>
module attributes {stable_mosaic.version = 14 : i64} {
  func.func @agg_kernel(%arg0: i32, %arg1: i32, %arg2: memref<10000x128xf32, #tpu.memory_space<hbm>>, %arg3: memref<323584xi32, #tpu.memory_space<hbm>>, %arg4: memref<323584xi32, #tpu.memory_space<hbm>>, %arg5: memref<640x128xf32, #tpu.memory_space<hbm>>, %arg6: memref<128x128xf32, #tpu.memory_space<hbm>>, %arg7: memref<2x10240x128xf32, #tpu.memory_space<hbm>>, %arg8: memref<2x10240x128xf32, #tpu.memory_space<hbm>>, %arg9: memref<128xi32, #tpu.memory_space<vmem>>, %arg10: memref<128xi32, #tpu.memory_space<vmem>>, %arg11: memref<128x128xf32, #tpu.memory_space<vmem>>, %arg12: memref<128x128xf32, #tpu.memory_space<vmem>>, %arg13: memref<10240x128xf32, #tpu.memory_space<vmem_shared>>, %arg14: memref<!tpu.dma_semaphore, #tpu.memory_space<semaphore_mem>>) attributes {dimension_semantics = [#tpu.dimension_semantics<core_parallel>, #tpu.dimension_semantics<subcore_parallel>], iteration_bounds = array<i64: 2, 16>, scalar_prefetch = 0 : i64, scratch_operands = 6 : i64, tpu.core_type = #tpu.core_type<sc_vector_subcore>, window_params = [{transform_indices = #map}, {transform_indices = #map1}, {transform_indices = #map1}, {transform_indices = #map}, {transform_indices = #map}, {transform_indices = #map2}, {transform_indices = #map2}]} {
    %mul3A = arith.constant 16 : i32
    %mul3A_0 = arith.muli %arg0, %mul3A : i32
    %add3A = arith.addi %mul3A_0, %arg1 : i32
    %scan3A = arith.constant 0 : i32
    %scan3A_1 = arith.constant 0 : i32
    %scan3A_2 = arith.constant 5 : i32
    %scan3A_3 = arith.addi %scan3A_1, %scan3A_2 : i32
    %scan3A_4 = arith.constant 1 : i32
    scf.for %scan3A_40 = %scan3A_1 to %scan3A_3 step %scan3A_4  : i32 {
      %mul3A_41 = arith.constant 640 : i32
      %mul3A_42 = arith.muli %arg1, %mul3A_41 : i32
      %mul3A_43 = arith.constant 128 : i32
      %mul3A_44 = arith.muli %scan3A_40, %mul3A_43 : i32
      %add3A_45 = arith.addi %mul3A_42, %mul3A_44 : i32
      %mul3A_46 = arith.constant 128 : i32
      %mul3A_47 = arith.muli %scan3A_40, %mul3A_46 : i32
      "tpu.region"() ({
        %run_scoped3A = tpu.sem_alloc : memref<!tpu.dma_semaphore, #tpu.memory_space<semaphore_mem>>
        %dma_start3A = arith.constant 0 : i32
        %dma_start3A_48 = tpu.memref_slice %arg5[%mul3A_47, %dma_start3A] : memref<640x128xf32, #tpu.memory_space<hbm>> -> memref<128x128xf32, #tpu.memory_space<hbm>>
        %dma_start3A_49 = arith.constant 0 : i32
        %dma_start3A_50 = tpu.memref_slice %arg5[%mul3A_47, %dma_start3A_49] : memref<640x128xf32, #tpu.memory_space<hbm>> -> memref<128x128xf32, #tpu.memory_space<hbm>>
        tpu.enqueue_dma source(%dma_start3A_50 : memref<128x128xf32, #tpu.memory_space<hbm>>) target(%arg11 : memref<128x128xf32, #tpu.memory_space<vmem>>) target_semaphore(%run_scoped3A : memref<!tpu.dma_semaphore, #tpu.memory_space<semaphore_mem>>)
        %dma_wait3A = arith.constant 0 : i32
        %dma_wait3A_51 = tpu.memref_slice %arg5[%mul3A_47, %dma_wait3A] : memref<640x128xf32, #tpu.memory_space<hbm>> -> memref<128x128xf32, #tpu.memory_space<hbm>>
        %dma_wait3A_52 = arith.constant 0 : i32
        %dma_wait3A_53 = tpu.memref_slice %arg5[%mul3A_47, %dma_wait3A_52] : memref<640x128xf32, #tpu.memory_space<hbm>> -> memref<128x128xf32, #tpu.memory_space<hbm>>
        tpu.wait_dma2 semaphore(%run_scoped3A : memref<!tpu.dma_semaphore, #tpu.memory_space<semaphore_mem>>) src(%dma_wait3A_53 : memref<128x128xf32, #tpu.memory_space<hbm>>) dst(%arg11 : memref<128x128xf32, #tpu.memory_space<vmem>>)
        tpu.yield
      }) : () -> ()
      "tpu.region"() ({
        %run_scoped3A = tpu.sem_alloc : memref<!tpu.dma_semaphore, #tpu.memory_space<semaphore_mem>>
        %dma_start3A = arith.constant 0 : i32
        %dma_start3A_48 = tpu.memref_slice %arg13[%add3A_45, %dma_start3A] : memref<10240x128xf32, #tpu.memory_space<vmem_shared>> -> memref<128x128xf32, #tpu.memory_space<vmem_shared>>
        %dma_start3A_49 = arith.constant 0 : i32
        %dma_start3A_50 = tpu.memref_slice %arg13[%add3A_45, %dma_start3A_49] : memref<10240x128xf32, #tpu.memory_space<vmem_shared>> -> memref<128x128xf32, #tpu.memory_space<vmem_shared>>
        tpu.enqueue_dma source(%arg11 : memref<128x128xf32, #tpu.memory_space<vmem>>) target(%dma_start3A_50 : memref<128x128xf32, #tpu.memory_space<vmem_shared>>) target_semaphore(%run_scoped3A : memref<!tpu.dma_semaphore, #tpu.memory_space<semaphore_mem>>)
        %dma_wait3A = arith.constant 0 : i32
        %dma_wait3A_51 = tpu.memref_slice %arg13[%add3A_45, %dma_wait3A] : memref<10240x128xf32, #tpu.memory_space<vmem_shared>> -> memref<128x128xf32, #tpu.memory_space<vmem_shared>>
        %dma_wait3A_52 = arith.constant 0 : i32
        %dma_wait3A_53 = tpu.memref_slice %arg13[%add3A_45, %dma_wait3A_52] : memref<10240x128xf32, #tpu.memory_space<vmem_shared>> -> memref<128x128xf32, #tpu.memory_space<vmem_shared>>
        tpu.wait_dma2 semaphore(%run_scoped3A : memref<!tpu.dma_semaphore, #tpu.memory_space<semaphore_mem>>) src(%arg11 : memref<128x128xf32, #tpu.memory_space<vmem>>) dst(%dma_wait3A_53 : memref<128x128xf32, #tpu.memory_space<vmem_shared>>)
        tpu.yield
      }) : () -> ()
    }
    %scan3A_5 = arith.constant 5 : i32
    "tpu.region"() ({
      %run_scoped3A = tpu.sem_alloc : memref<!tpu.dma_semaphore, #tpu.memory_space<semaphore_mem>>
      tpu.enqueue_dma source(%arg6 : memref<128x128xf32, #tpu.memory_space<hbm>>) target(%arg12 : memref<128x128xf32, #tpu.memory_space<vmem>>) target_semaphore(%run_scoped3A : memref<!tpu.dma_semaphore, #tpu.memory_space<semaphore_mem>>)
      tpu.wait_dma2 semaphore(%run_scoped3A : memref<!tpu.dma_semaphore, #tpu.memory_space<semaphore_mem>>) src(%arg6 : memref<128x128xf32, #tpu.memory_space<hbm>>) dst(%arg12 : memref<128x128xf32, #tpu.memory_space<vmem>>)
      tpu.yield
    }) : () -> ()
    %barrier3A = arith.constant 0 : index
    tpu.barrier barrier_id(%barrier3A)
    %scan3A_6 = arith.constant 0 : i32
    %scan3A_7 = arith.constant 0 : i32
    %scan3A_8 = arith.constant 79 : i32
    %scan3A_9 = arith.addi %scan3A_7, %scan3A_8 : i32
    %scan3A_10 = arith.constant 1 : i32
    scf.for %scan3A_40 = %scan3A_7 to %scan3A_9 step %scan3A_10  : i32 {
      %mul3A_41 = arith.constant 79 : i32
      %mul3A_42 = arith.muli %add3A, %mul3A_41 : i32
      %add3A_43 = arith.addi %mul3A_42, %scan3A_40 : i32
      %mul3A_44 = arith.constant 128 : i32
      %mul3A_45 = arith.muli %add3A_43, %mul3A_44 : i32
      "tpu.region"() ({
        %run_scoped3A = tpu.sem_alloc : memref<!tpu.dma_semaphore, #tpu.memory_space<semaphore_mem>>
        %dma_start3A_50 = tpu.memref_slice %arg3[%mul3A_45] : memref<323584xi32, #tpu.memory_space<hbm>> -> memref<128xi32, #tpu.memory_space<hbm>>
        %dma_start3A_51 = tpu.memref_slice %arg3[%mul3A_45] : memref<323584xi32, #tpu.memory_space<hbm>> -> memref<128xi32, #tpu.memory_space<hbm>>
        tpu.enqueue_dma source(%dma_start3A_51 : memref<128xi32, #tpu.memory_space<hbm>>) target(%arg9 : memref<128xi32, #tpu.memory_space<vmem>>) target_semaphore(%run_scoped3A : memref<!tpu.dma_semaphore, #tpu.memory_space<semaphore_mem>>)
        %dma_wait3A_52 = tpu.memref_slice %arg3[%mul3A_45] : memref<323584xi32, #tpu.memory_space<hbm>> -> memref<128xi32, #tpu.memory_space<hbm>>
        %dma_wait3A_53 = tpu.memref_slice %arg3[%mul3A_45] : memref<323584xi32, #tpu.memory_space<hbm>> -> memref<128xi32, #tpu.memory_space<hbm>>
        tpu.wait_dma2 semaphore(%run_scoped3A : memref<!tpu.dma_semaphore, #tpu.memory_space<semaphore_mem>>) src(%dma_wait3A_53 : memref<128xi32, #tpu.memory_space<hbm>>) dst(%arg9 : memref<128xi32, #tpu.memory_space<vmem>>)
        tpu.yield
      }) : () -> ()
      "tpu.region"() ({
        %run_scoped3A = tpu.sem_alloc : memref<!tpu.dma_semaphore, #tpu.memory_space<semaphore_mem>>
        %dma_start3A_50 = tpu.memref_slice %arg4[%mul3A_45] : memref<323584xi32, #tpu.memory_space<hbm>> -> memref<128xi32, #tpu.memory_space<hbm>>
        %dma_start3A_51 = tpu.memref_slice %arg4[%mul3A_45] : memref<323584xi32, #tpu.memory_space<hbm>> -> memref<128xi32, #tpu.memory_space<hbm>>
        tpu.enqueue_dma source(%dma_start3A_51 : memref<128xi32, #tpu.memory_space<hbm>>) target(%arg10 : memref<128xi32, #tpu.memory_space<vmem>>) target_semaphore(%run_scoped3A : memref<!tpu.dma_semaphore, #tpu.memory_space<semaphore_mem>>)
        %dma_wait3A_52 = tpu.memref_slice %arg4[%mul3A_45] : memref<323584xi32, #tpu.memory_space<hbm>> -> memref<128xi32, #tpu.memory_space<hbm>>
        %dma_wait3A_53 = tpu.memref_slice %arg4[%mul3A_45] : memref<323584xi32, #tpu.memory_space<hbm>> -> memref<128xi32, #tpu.memory_space<hbm>>
        tpu.wait_dma2 semaphore(%run_scoped3A : memref<!tpu.dma_semaphore, #tpu.memory_space<semaphore_mem>>) src(%dma_wait3A_53 : memref<128xi32, #tpu.memory_space<hbm>>) dst(%arg10 : memref<128xi32, #tpu.memory_space<vmem>>)
        tpu.yield
      }) : () -> ()
      %dma_start3A = arith.constant 0 : i32
      %dma_start3A_46 = arith.constant 0 : i32
      %dma_start3A_47 = tpu.memref_slice %arg2[%dma_start3A, %dma_start3A_46] : memref<10000x128xf32, #tpu.memory_space<hbm>> -> memref<10000x128xf32, #tpu.memory_space<hbm>>
      tpu.enqueue_indirect_dma source(%dma_start3A_47 : memref<10000x128xf32, #tpu.memory_space<hbm>>) target(%arg11 : memref<128x128xf32, #tpu.memory_space<vmem>>) offsets(%arg9 : memref<128xi32, #tpu.memory_space<vmem>>) semaphore(%arg14 : memref<!tpu.dma_semaphore, #tpu.memory_space<semaphore_mem>>)
      %dma_wait3A = arith.constant 0 : i32
      %dma_wait3A_48 = arith.constant 0 : i32
      %dma_wait3A_49 = tpu.memref_slice %arg2[%dma_wait3A, %dma_wait3A_48] : memref<10000x128xf32, #tpu.memory_space<hbm>> -> memref<10000x128xf32, #tpu.memory_space<hbm>>
      tpu.wait_indirect_dma semaphore(%arg14 : memref<!tpu.dma_semaphore, #tpu.memory_space<semaphore_mem>>) src(%dma_wait3A_49 : memref<10000x128xf32, #tpu.memory_space<hbm>>) dst(%arg11 : memref<128x128xf32, #tpu.memory_space<vmem>>)
      "tpu.region"() ({
        %run_scoped3A = tpu.sem_alloc : memref<!tpu.dma_semaphore, #tpu.memory_space<semaphore_mem>>
        %dma_start3A_50 = arith.constant 0 : i32
        %dma_start3A_51 = arith.constant 0 : i32
        %dma_start3A_52 = tpu.memref_slice %arg13[%dma_start3A_50, %dma_start3A_51] : memref<10240x128xf32, #tpu.memory_space<vmem_shared>> -> memref<10240x128xf32, #tpu.memory_space<vmem_shared>>
        tpu.enqueue_indirect_dma source(%arg11 : memref<128x128xf32, #tpu.memory_space<vmem>>) target(%dma_start3A_52 : memref<10240x128xf32, #tpu.memory_space<vmem_shared>>) offsets(%arg10 : memref<128xi32, #tpu.memory_space<vmem>>) semaphore(%run_scoped3A : memref<!tpu.dma_semaphore, #tpu.memory_space<semaphore_mem>>) {add = true}
        %dma_wait3A_53 = arith.constant 0 : i32
        %dma_wait3A_54 = arith.constant 0 : i32
        %dma_wait3A_55 = tpu.memref_slice %arg13[%dma_wait3A_53, %dma_wait3A_54] : memref<10240x128xf32, #tpu.memory_space<vmem_shared>> -> memref<10240x128xf32, #tpu.memory_space<vmem_shared>>
        tpu.wait_indirect_dma semaphore(%run_scoped3A : memref<!tpu.dma_semaphore, #tpu.memory_space<semaphore_mem>>) src(%arg11 : memref<128x128xf32, #tpu.memory_space<vmem>>) dst(%dma_wait3A_55 : memref<10240x128xf32, #tpu.memory_space<vmem_shared>>)
        tpu.yield
      }) : () -> ()
    }
    %scan3A_11 = arith.constant 79 : i32
    %barrier3A_12 = arith.constant 0 : index
    tpu.barrier barrier_id(%barrier3A_12)
    %scan3A_13 = arith.constant 0 : i32
    %scan3A_14 = arith.constant 0 : i32
    %scan3A_15 = arith.constant 5 : i32
    %scan3A_16 = arith.addi %scan3A_14, %scan3A_15 : i32
    %scan3A_17 = arith.constant 1 : i32
    scf.for %scan3A_40 = %scan3A_14 to %scan3A_16 step %scan3A_17  : i32 {
      %mul3A_41 = arith.constant 640 : i32
      %mul3A_42 = arith.muli %arg1, %mul3A_41 : i32
      %mul3A_43 = arith.constant 128 : i32
      %mul3A_44 = arith.muli %scan3A_40, %mul3A_43 : i32
      %add3A_45 = arith.addi %mul3A_42, %mul3A_44 : i32
      "tpu.region"() ({
        %run_scoped3A = tpu.sem_alloc : memref<!tpu.dma_semaphore, #tpu.memory_space<semaphore_mem>>
        %dma_start3A = arith.constant 0 : i32
        %dma_start3A_46 = tpu.memref_slice %arg13[%add3A_45, %dma_start3A] : memref<10240x128xf32, #tpu.memory_space<vmem_shared>> -> memref<128x128xf32, #tpu.memory_space<vmem_shared>>
        %dma_start3A_47 = arith.constant 0 : i32
        %dma_start3A_48 = tpu.memref_slice %arg13[%add3A_45, %dma_start3A_47] : memref<10240x128xf32, #tpu.memory_space<vmem_shared>> -> memref<128x128xf32, #tpu.memory_space<vmem_shared>>
        tpu.enqueue_dma source(%dma_start3A_48 : memref<128x128xf32, #tpu.memory_space<vmem_shared>>) target(%arg11 : memref<128x128xf32, #tpu.memory_space<vmem>>) target_semaphore(%run_scoped3A : memref<!tpu.dma_semaphore, #tpu.memory_space<semaphore_mem>>)
        %dma_wait3A = arith.constant 0 : i32
        %dma_wait3A_49 = tpu.memref_slice %arg13[%add3A_45, %dma_wait3A] : memref<10240x128xf32, #tpu.memory_space<vmem_shared>> -> memref<128x128xf32, #tpu.memory_space<vmem_shared>>
        %dma_wait3A_50 = arith.constant 0 : i32
        %dma_wait3A_51 = tpu.memref_slice %arg13[%add3A_45, %dma_wait3A_50] : memref<10240x128xf32, #tpu.memory_space<vmem_shared>> -> memref<128x128xf32, #tpu.memory_space<vmem_shared>>
        tpu.wait_dma2 semaphore(%run_scoped3A : memref<!tpu.dma_semaphore, #tpu.memory_space<semaphore_mem>>) src(%dma_wait3A_51 : memref<128x128xf32, #tpu.memory_space<vmem_shared>>) dst(%arg11 : memref<128x128xf32, #tpu.memory_space<vmem>>)
        tpu.yield
      }) : () -> ()
      "tpu.region"() ({
        %run_scoped3A = tpu.sem_alloc : memref<!tpu.dma_semaphore, #tpu.memory_space<semaphore_mem>>
        %dma_start3A = arith.constant 0 : i32
        %dma_start3A_46 = tpu.memref_slice %arg7[%arg0, %add3A_45, %dma_start3A] : memref<2x10240x128xf32, #tpu.memory_space<hbm>> -> memref<1x128x128xf32, #tpu.memory_space<hbm>>
        %dma_start3A_47 = tpu.memref_squeeze %dma_start3A_46 : memref<1x128x128xf32, #tpu.memory_space<hbm>> -> memref<128x128xf32, #tpu.memory_space<hbm>>
        %dma_start3A_48 = arith.constant 0 : i32
        %dma_start3A_49 = tpu.memref_slice %arg7[%arg0, %add3A_45, %dma_start3A_48] : memref<2x10240x128xf32, #tpu.memory_space<hbm>> -> memref<1x128x128xf32, #tpu.memory_space<hbm>>
        %dma_start3A_50 = tpu.memref_squeeze %dma_start3A_49 : memref<1x128x128xf32, #tpu.memory_space<hbm>> -> memref<128x128xf32, #tpu.memory_space<hbm>>
        tpu.enqueue_dma source(%arg11 : memref<128x128xf32, #tpu.memory_space<vmem>>) target(%dma_start3A_50 : memref<128x128xf32, #tpu.memory_space<hbm>>) target_semaphore(%run_scoped3A : memref<!tpu.dma_semaphore, #tpu.memory_space<semaphore_mem>>)
        %dma_wait3A = arith.constant 0 : i32
        %dma_wait3A_51 = tpu.memref_slice %arg7[%arg0, %add3A_45, %dma_wait3A] : memref<2x10240x128xf32, #tpu.memory_space<hbm>> -> memref<1x128x128xf32, #tpu.memory_space<hbm>>
        %dma_wait3A_52 = tpu.memref_squeeze %dma_wait3A_51 : memref<1x128x128xf32, #tpu.memory_space<hbm>> -> memref<128x128xf32, #tpu.memory_space<hbm>>
        %dma_wait3A_53 = arith.constant 0 : i32
        %dma_wait3A_54 = tpu.memref_slice %arg7[%arg0, %add3A_45, %dma_wait3A_53] : memref<2x10240x128xf32, #tpu.memory_space<hbm>> -> memref<1x128x128xf32, #tpu.memory_space<hbm>>
        %dma_wait3A_55 = tpu.memref_squeeze %dma_wait3A_54 : memref<1x128x128xf32, #tpu.memory_space<hbm>> -> memref<128x128xf32, #tpu.memory_space<hbm>>
        tpu.wait_dma2 semaphore(%run_scoped3A : memref<!tpu.dma_semaphore, #tpu.memory_space<semaphore_mem>>) src(%arg11 : memref<128x128xf32, #tpu.memory_space<vmem>>) dst(%dma_wait3A_55 : memref<128x128xf32, #tpu.memory_space<hbm>>)
        tpu.yield
      }) : () -> ()
    }
    %scan3A_18 = arith.constant 5 : i32
    %barrier3A_19 = arith.constant 0 : index
    tpu.barrier barrier_id(%barrier3A_19)
    %scan3A_20 = arith.constant 0 : i32
    %scan3A_21 = arith.constant 0 : i32
    %scan3A_22 = arith.constant 5 : i32
    %scan3A_23 = arith.addi %scan3A_21, %scan3A_22 : i32
    %scan3A_24 = arith.constant 1 : i32
    scf.for %scan3A_40 = %scan3A_21 to %scan3A_23 step %scan3A_24  : i32 {
      %mul3A_41 = arith.constant 640 : i32
      %mul3A_42 = arith.muli %arg1, %mul3A_41 : i32
      %mul3A_43 = arith.constant 128 : i32
      %mul3A_44 = arith.muli %scan3A_40, %mul3A_43 : i32
      %add3A_45 = arith.addi %mul3A_42, %mul3A_44 : i32
      %mul3A_46 = arith.constant 128 : i32
      %mul3A_47 = arith.muli %scan3A_40, %mul3A_46 : i32
      "tpu.region"() ({
        %run_scoped3A = tpu.sem_alloc : memref<!tpu.dma_semaphore, #tpu.memory_space<semaphore_mem>>
        %dma_start3A = arith.constant 0 : i32
        %dma_start3A_48 = tpu.memref_slice %arg5[%mul3A_47, %dma_start3A] : memref<640x128xf32, #tpu.memory_space<hbm>> -> memref<128x128xf32, #tpu.memory_space<hbm>>
        %dma_start3A_49 = arith.constant 0 : i32
        %dma_start3A_50 = tpu.memref_slice %arg5[%mul3A_47, %dma_start3A_49] : memref<640x128xf32, #tpu.memory_space<hbm>> -> memref<128x128xf32, #tpu.memory_space<hbm>>
        tpu.enqueue_dma source(%dma_start3A_50 : memref<128x128xf32, #tpu.memory_space<hbm>>) target(%arg11 : memref<128x128xf32, #tpu.memory_space<vmem>>) target_semaphore(%run_scoped3A : memref<!tpu.dma_semaphore, #tpu.memory_space<semaphore_mem>>)
        %dma_wait3A = arith.constant 0 : i32
        %dma_wait3A_51 = tpu.memref_slice %arg5[%mul3A_47, %dma_wait3A] : memref<640x128xf32, #tpu.memory_space<hbm>> -> memref<128x128xf32, #tpu.memory_space<hbm>>
        %dma_wait3A_52 = arith.constant 0 : i32
        %dma_wait3A_53 = tpu.memref_slice %arg5[%mul3A_47, %dma_wait3A_52] : memref<640x128xf32, #tpu.memory_space<hbm>> -> memref<128x128xf32, #tpu.memory_space<hbm>>
        tpu.wait_dma2 semaphore(%run_scoped3A : memref<!tpu.dma_semaphore, #tpu.memory_space<semaphore_mem>>) src(%dma_wait3A_53 : memref<128x128xf32, #tpu.memory_space<hbm>>) dst(%arg11 : memref<128x128xf32, #tpu.memory_space<vmem>>)
        tpu.yield
      }) : () -> ()
      "tpu.region"() ({
        %run_scoped3A = tpu.sem_alloc : memref<!tpu.dma_semaphore, #tpu.memory_space<semaphore_mem>>
        %dma_start3A = arith.constant 0 : i32
        %dma_start3A_48 = tpu.memref_slice %arg13[%add3A_45, %dma_start3A] : memref<10240x128xf32, #tpu.memory_space<vmem_shared>> -> memref<128x128xf32, #tpu.memory_space<vmem_shared>>
        %dma_start3A_49 = arith.constant 0 : i32
        %dma_start3A_50 = tpu.memref_slice %arg13[%add3A_45, %dma_start3A_49] : memref<10240x128xf32, #tpu.memory_space<vmem_shared>> -> memref<128x128xf32, #tpu.memory_space<vmem_shared>>
        tpu.enqueue_dma source(%arg11 : memref<128x128xf32, #tpu.memory_space<vmem>>) target(%dma_start3A_50 : memref<128x128xf32, #tpu.memory_space<vmem_shared>>) target_semaphore(%run_scoped3A : memref<!tpu.dma_semaphore, #tpu.memory_space<semaphore_mem>>)
        %dma_wait3A = arith.constant 0 : i32
        %dma_wait3A_51 = tpu.memref_slice %arg13[%add3A_45, %dma_wait3A] : memref<10240x128xf32, #tpu.memory_space<vmem_shared>> -> memref<128x128xf32, #tpu.memory_space<vmem_shared>>
        %dma_wait3A_52 = arith.constant 0 : i32
        %dma_wait3A_53 = tpu.memref_slice %arg13[%add3A_45, %dma_wait3A_52] : memref<10240x128xf32, #tpu.memory_space<vmem_shared>> -> memref<128x128xf32, #tpu.memory_space<vmem_shared>>
        tpu.wait_dma2 semaphore(%run_scoped3A : memref<!tpu.dma_semaphore, #tpu.memory_space<semaphore_mem>>) src(%arg11 : memref<128x128xf32, #tpu.memory_space<vmem>>) dst(%dma_wait3A_53 : memref<128x128xf32, #tpu.memory_space<vmem_shared>>)
        tpu.yield
      }) : () -> ()
    }
    %scan3A_25 = arith.constant 5 : i32
    %barrier3A_26 = arith.constant 0 : index
    tpu.barrier barrier_id(%barrier3A_26)
    %scan3A_27 = arith.constant 0 : i32
    %scan3A_28 = arith.constant 0 : i32
    %scan3A_29 = arith.constant 79 : i32
    %scan3A_30 = arith.addi %scan3A_28, %scan3A_29 : i32
    %scan3A_31 = arith.constant 1 : i32
    scf.for %scan3A_40 = %scan3A_28 to %scan3A_30 step %scan3A_31  : i32 {
      %mul3A_41 = arith.constant 79 : i32
      %mul3A_42 = arith.muli %add3A, %mul3A_41 : i32
      %add3A_43 = arith.addi %mul3A_42, %scan3A_40 : i32
      %mul3A_44 = arith.constant 128 : i32
      %mul3A_45 = arith.muli %add3A_43, %mul3A_44 : i32
      "tpu.region"() ({
        %run_scoped3A = tpu.sem_alloc : memref<!tpu.dma_semaphore, #tpu.memory_space<semaphore_mem>>
        %dma_start3A = tpu.memref_slice %arg4[%mul3A_45] : memref<323584xi32, #tpu.memory_space<hbm>> -> memref<128xi32, #tpu.memory_space<hbm>>
        %dma_start3A_46 = tpu.memref_slice %arg4[%mul3A_45] : memref<323584xi32, #tpu.memory_space<hbm>> -> memref<128xi32, #tpu.memory_space<hbm>>
        tpu.enqueue_dma source(%dma_start3A_46 : memref<128xi32, #tpu.memory_space<hbm>>) target(%arg10 : memref<128xi32, #tpu.memory_space<vmem>>) target_semaphore(%run_scoped3A : memref<!tpu.dma_semaphore, #tpu.memory_space<semaphore_mem>>)
        %dma_wait3A = tpu.memref_slice %arg4[%mul3A_45] : memref<323584xi32, #tpu.memory_space<hbm>> -> memref<128xi32, #tpu.memory_space<hbm>>
        %dma_wait3A_47 = tpu.memref_slice %arg4[%mul3A_45] : memref<323584xi32, #tpu.memory_space<hbm>> -> memref<128xi32, #tpu.memory_space<hbm>>
        tpu.wait_dma2 semaphore(%run_scoped3A : memref<!tpu.dma_semaphore, #tpu.memory_space<semaphore_mem>>) src(%dma_wait3A_47 : memref<128xi32, #tpu.memory_space<hbm>>) dst(%arg10 : memref<128xi32, #tpu.memory_space<vmem>>)
        tpu.yield
      }) : () -> ()
      "tpu.region"() ({
        %run_scoped3A = tpu.sem_alloc : memref<!tpu.dma_semaphore, #tpu.memory_space<semaphore_mem>>
        %dma_start3A = arith.constant 0 : i32
        %dma_start3A_46 = arith.constant 0 : i32
        %dma_start3A_47 = tpu.memref_slice %arg13[%dma_start3A, %dma_start3A_46] : memref<10240x128xf32, #tpu.memory_space<vmem_shared>> -> memref<10240x128xf32, #tpu.memory_space<vmem_shared>>
        tpu.enqueue_indirect_dma source(%arg12 : memref<128x128xf32, #tpu.memory_space<vmem>>) target(%dma_start3A_47 : memref<10240x128xf32, #tpu.memory_space<vmem_shared>>) offsets(%arg10 : memref<128xi32, #tpu.memory_space<vmem>>) semaphore(%run_scoped3A : memref<!tpu.dma_semaphore, #tpu.memory_space<semaphore_mem>>) {add = true}
        %dma_wait3A = arith.constant 0 : i32
        %dma_wait3A_48 = arith.constant 0 : i32
        %dma_wait3A_49 = tpu.memref_slice %arg13[%dma_wait3A, %dma_wait3A_48] : memref<10240x128xf32, #tpu.memory_space<vmem_shared>> -> memref<10240x128xf32, #tpu.memory_space<vmem_shared>>
        tpu.wait_indirect_dma semaphore(%run_scoped3A : memref<!tpu.dma_semaphore, #tpu.memory_space<semaphore_mem>>) src(%arg12 : memref<128x128xf32, #tpu.memory_space<vmem>>) dst(%dma_wait3A_49 : memref<10240x128xf32, #tpu.memory_space<vmem_shared>>)
        tpu.yield
      }) : () -> ()
    }
    %scan3A_32 = arith.constant 79 : i32
    %barrier3A_33 = arith.constant 0 : index
    tpu.barrier barrier_id(%barrier3A_33)
    %scan3A_34 = arith.constant 0 : i32
    %scan3A_35 = arith.constant 0 : i32
    %scan3A_36 = arith.constant 5 : i32
    %scan3A_37 = arith.addi %scan3A_35, %scan3A_36 : i32
    %scan3A_38 = arith.constant 1 : i32
    scf.for %scan3A_40 = %scan3A_35 to %scan3A_37 step %scan3A_38  : i32 {
      %mul3A_41 = arith.constant 640 : i32
      %mul3A_42 = arith.muli %arg1, %mul3A_41 : i32
      %mul3A_43 = arith.constant 128 : i32
      %mul3A_44 = arith.muli %scan3A_40, %mul3A_43 : i32
      %add3A_45 = arith.addi %mul3A_42, %mul3A_44 : i32
      "tpu.region"() ({
        %run_scoped3A = tpu.sem_alloc : memref<!tpu.dma_semaphore, #tpu.memory_space<semaphore_mem>>
        %dma_start3A = arith.constant 0 : i32
        %dma_start3A_46 = tpu.memref_slice %arg13[%add3A_45, %dma_start3A] : memref<10240x128xf32, #tpu.memory_space<vmem_shared>> -> memref<128x128xf32, #tpu.memory_space<vmem_shared>>
        %dma_start3A_47 = arith.constant 0 : i32
        %dma_start3A_48 = tpu.memref_slice %arg13[%add3A_45, %dma_start3A_47] : memref<10240x128xf32, #tpu.memory_space<vmem_shared>> -> memref<128x128xf32, #tpu.memory_space<vmem_shared>>
        tpu.enqueue_dma source(%dma_start3A_48 : memref<128x128xf32, #tpu.memory_space<vmem_shared>>) target(%arg11 : memref<128x128xf32, #tpu.memory_space<vmem>>) target_semaphore(%run_scoped3A : memref<!tpu.dma_semaphore, #tpu.memory_space<semaphore_mem>>)
        %dma_wait3A = arith.constant 0 : i32
        %dma_wait3A_49 = tpu.memref_slice %arg13[%add3A_45, %dma_wait3A] : memref<10240x128xf32, #tpu.memory_space<vmem_shared>> -> memref<128x128xf32, #tpu.memory_space<vmem_shared>>
        %dma_wait3A_50 = arith.constant 0 : i32
        %dma_wait3A_51 = tpu.memref_slice %arg13[%add3A_45, %dma_wait3A_50] : memref<10240x128xf32, #tpu.memory_space<vmem_shared>> -> memref<128x128xf32, #tpu.memory_space<vmem_shared>>
        tpu.wait_dma2 semaphore(%run_scoped3A : memref<!tpu.dma_semaphore, #tpu.memory_space<semaphore_mem>>) src(%dma_wait3A_51 : memref<128x128xf32, #tpu.memory_space<vmem_shared>>) dst(%arg11 : memref<128x128xf32, #tpu.memory_space<vmem>>)
        tpu.yield
      }) : () -> ()
      "tpu.region"() ({
        %run_scoped3A = tpu.sem_alloc : memref<!tpu.dma_semaphore, #tpu.memory_space<semaphore_mem>>
        %dma_start3A = arith.constant 0 : i32
        %dma_start3A_46 = tpu.memref_slice %arg8[%arg0, %add3A_45, %dma_start3A] : memref<2x10240x128xf32, #tpu.memory_space<hbm>> -> memref<1x128x128xf32, #tpu.memory_space<hbm>>
        %dma_start3A_47 = tpu.memref_squeeze %dma_start3A_46 : memref<1x128x128xf32, #tpu.memory_space<hbm>> -> memref<128x128xf32, #tpu.memory_space<hbm>>
        %dma_start3A_48 = arith.constant 0 : i32
        %dma_start3A_49 = tpu.memref_slice %arg8[%arg0, %add3A_45, %dma_start3A_48] : memref<2x10240x128xf32, #tpu.memory_space<hbm>> -> memref<1x128x128xf32, #tpu.memory_space<hbm>>
        %dma_start3A_50 = tpu.memref_squeeze %dma_start3A_49 : memref<1x128x128xf32, #tpu.memory_space<hbm>> -> memref<128x128xf32, #tpu.memory_space<hbm>>
        tpu.enqueue_dma source(%arg11 : memref<128x128xf32, #tpu.memory_space<vmem>>) target(%dma_start3A_50 : memref<128x128xf32, #tpu.memory_space<hbm>>) target_semaphore(%run_scoped3A : memref<!tpu.dma_semaphore, #tpu.memory_space<semaphore_mem>>)
        %dma_wait3A = arith.constant 0 : i32
        %dma_wait3A_51 = tpu.memref_slice %arg8[%arg0, %add3A_45, %dma_wait3A] : memref<2x10240x128xf32, #tpu.memory_space<hbm>> -> memref<1x128x128xf32, #tpu.memory_space<hbm>>
        %dma_wait3A_52 = tpu.memref_squeeze %dma_wait3A_51 : memref<1x128x128xf32, #tpu.memory_space<hbm>> -> memref<128x128xf32, #tpu.memory_space<hbm>>
        %dma_wait3A_53 = arith.constant 0 : i32
        %dma_wait3A_54 = tpu.memref_slice %arg8[%arg0, %add3A_45, %dma_wait3A_53] : memref<2x10240x128xf32, #tpu.memory_space<hbm>> -> memref<1x128x128xf32, #tpu.memory_space<hbm>>
        %dma_wait3A_55 = tpu.memref_squeeze %dma_wait3A_54 : memref<1x128x128xf32, #tpu.memory_space<hbm>> -> memref<128x128xf32, #tpu.memory_space<hbm>>
        tpu.wait_dma2 semaphore(%run_scoped3A : memref<!tpu.dma_semaphore, #tpu.memory_space<semaphore_mem>>) src(%arg11 : memref<128x128xf32, #tpu.memory_space<vmem>>) dst(%dma_wait3A_55 : memref<128x128xf32, #tpu.memory_space<hbm>>)
        tpu.yield
      }) : () -> ()
    }
    %scan3A_39 = arith.constant 5 : i32
    return
  }
}

module attributes {stable_mosaic.version = 14 : i64} {
  func.func @body(%arg0: i32, %arg1: memref<2000x128xf32, #tpu.memory_space<vmem>>, %arg2: memref<2000x128xf32, #tpu.memory_space<vmem>>, %arg3: memref<2000x128xf32, #tpu.memory_space<vmem>>, %arg4: memref<2000x128xf32, #tpu.memory_space<vmem>>, %arg5: memref<2000x128xf32, #tpu.memory_space<vmem>>, %arg6: memref<128x128xf32, #tpu.memory_space<vmem>>, %arg7: memref<128x128xf32, #tpu.memory_space<vmem>>, %arg8: memref<1x128xf32, #tpu.memory_space<vmem>>, %arg9: memref<2000x128xf32, #tpu.memory_space<vmem>>) attributes {dimension_semantics = [#tpu.dimension_semantics<arbitrary>], iteration_bounds = array<i64: 5>, scalar_prefetch = 0 : i64, scratch_operands = 0 : i64, tpu.core_type = #tpu.core_type<tc>, window_params = [{transform_indices = @transform_0, window_bounds = array<i64: 2000, 128>}, {transform_indices = @transform_1, window_bounds = array<i64: 2000, 128>}, {transform_indices = @transform_2, window_bounds = array<i64: 2000, 128>}, {transform_indices = @transform_3, window_bounds = array<i64: 2000, 128>}, {transform_indices = @transform_4, window_bounds = array<i64: 2000, 128>}, {pipeline_mode = #tpu.pipeline_mode<synchronous>, transform_indices = @transform_5, window_bounds = array<i64: 128, 128>}, {pipeline_mode = #tpu.pipeline_mode<synchronous>, transform_indices = @transform_6, window_bounds = array<i64: 128, 128>}, {pipeline_mode = #tpu.pipeline_mode<synchronous>, transform_indices = @transform_7, window_bounds = array<i64: 1, 128>}, {transform_indices = @transform_8, window_bounds = array<i64: 2000, 128>}]} {
    %get3A = arith.constant 0 : index
    %get3A_0 = arith.constant 0 : index
    %get3A_1 = vector.load %arg1[%get3A, %get3A_0] : memref<2000x128xf32, #tpu.memory_space<vmem>>, vector<2000x128xf32>
    %get3A_2 = arith.constant 0 : index
    %get3A_3 = arith.constant 0 : index
    %get3A_4 = vector.load %arg2[%get3A_2, %get3A_3] : memref<2000x128xf32, #tpu.memory_space<vmem>>, vector<2000x128xf32>
    %get3A_5 = arith.constant 0 : index
    %get3A_6 = arith.constant 0 : index
    %get3A_7 = vector.load %arg3[%get3A_5, %get3A_6] : memref<2000x128xf32, #tpu.memory_space<vmem>>, vector<2000x128xf32>
    %add3A = arith.addf %get3A_4, %get3A_7 : vector<2000x128xf32>
    %get3A_8 = arith.constant 0 : index
    %get3A_9 = arith.constant 0 : index
    %get3A_10 = vector.load %arg4[%get3A_8, %get3A_9] : memref<2000x128xf32, #tpu.memory_space<vmem>>, vector<2000x128xf32>
    %get3A_11 = arith.constant 0 : index
    %get3A_12 = arith.constant 0 : index
    %get3A_13 = vector.load %arg5[%get3A_11, %get3A_12] : memref<2000x128xf32, #tpu.memory_space<vmem>>, vector<2000x128xf32>
    %add3A_14 = arith.addf %get3A_10, %get3A_13 : vector<2000x128xf32>
    %slice3A = vector.extract_strided_slice %add3A_14 {offsets = [0, 0], sizes = [2000, 1], strides = [1, 1]} : vector<2000x128xf32> to vector<2000x1xf32>
    %jit3A = arith.constant 1.000000e+00 : f32
    %max3A = vector.broadcast %jit3A : f32 to vector<2000x1xf32>
    %max3A_15 = arith.maximumf %max3A, %slice3A : vector<2000x1xf32>
    %get3A_16 = arith.constant 0 : index
    %get3A_17 = arith.constant 0 : index
    %get3A_18 = vector.load %arg6[%get3A_16, %get3A_17] : memref<128x128xf32, #tpu.memory_space<vmem>>, vector<128x128xf32>
    %dot_general3A = arith.constant dense<0.000000e+00> : vector<2000x128xf32>
    %dot_general3A_19 = tpu.matmul %get3A_1, %get3A_18, %dot_general3A {dimension_numbers = #tpu.dot_dimension_numbers<[1], [0], [0], [1], [0, 0, 1, 1], [], []>, transpose_lhs_hint = false} : vector<2000x128xf32>, vector<128x128xf32>, vector<2000x128xf32> -> vector<2000x128xf32>
    %div3A = vector.broadcast %max3A_15 : vector<2000x1xf32> to vector<2000x128xf32>
    %div3A_20 = arith.divf %add3A, %div3A : vector<2000x128xf32>
    %get3A_21 = arith.constant 0 : index
    %get3A_22 = arith.constant 0 : index
    %get3A_23 = vector.load %arg7[%get3A_21, %get3A_22] : memref<128x128xf32, #tpu.memory_space<vmem>>, vector<128x128xf32>
    %dot_general3A_24 = arith.constant dense<0.000000e+00> : vector<2000x128xf32>
    %dot_general3A_25 = tpu.matmul %div3A_20, %get3A_23, %dot_general3A_24 {dimension_numbers = #tpu.dot_dimension_numbers<[1], [0], [0], [1], [0, 0, 1, 1], [], []>, transpose_lhs_hint = false} : vector<2000x128xf32>, vector<128x128xf32>, vector<2000x128xf32> -> vector<2000x128xf32>
    %add3A_26 = arith.addf %dot_general3A_19, %dot_general3A_25 : vector<2000x128xf32>
    %get3A_27 = arith.constant 0 : index
    %get3A_28 = arith.constant 0 : index
    %get3A_29 = vector.load %arg8[%get3A_27, %get3A_28] : memref<1x128xf32, #tpu.memory_space<vmem>>, vector<1x128xf32>
    %add3A_30 = vector.broadcast %get3A_29 : vector<1x128xf32> to vector<2000x128xf32>
    %add3A_31 = arith.addf %add3A_26, %add3A_30 : vector<2000x128xf32>
    %max3A_32 = arith.constant 0.000000e+00 : f32
    %max3A_33 = vector.broadcast %max3A_32 : f32 to vector<2000x128xf32>
    %max3A_34 = arith.maximumf %add3A_31, %max3A_33 : vector<2000x128xf32>
    %max3A_35 = arith.maximumf %max3A_34, %get3A_1 : vector<2000x128xf32>
    %swap3A = arith.constant 0 : index
    %swap3A_36 = arith.constant 0 : index
    %swap3A_37 = vector.load %arg9[%swap3A, %swap3A_36] : memref<2000x128xf32, #tpu.memory_space<vmem>>, vector<2000x128xf32>
    tpu.vector_store %arg9[%swap3A, %swap3A_36], %max3A_35 {strides = array<i32>} : memref<2000x128xf32, #tpu.memory_space<vmem>>, vector<2000x128xf32>,
    return
  }
  func.func @transform_0(%arg0: i32) -> (i32, i32) {
    %c0_i32 = arith.constant 0 : i32
    %c0_i32_0 = arith.constant 0 : i32
    return %arg0, %c0_i32 : i32, i32
  }
  func.func @transform_1(%arg0: i32) -> (i32, i32) {
    %c0_i32 = arith.constant 0 : i32
    %c0_i32_0 = arith.constant 0 : i32
    return %arg0, %c0_i32 : i32, i32
  }
  func.func @transform_2(%arg0: i32) -> (i32, i32) {
    %c0_i32 = arith.constant 0 : i32
    %c0_i32_0 = arith.constant 0 : i32
    return %arg0, %c0_i32 : i32, i32
  }
  func.func @transform_3(%arg0: i32) -> (i32, i32) {
    %c0_i32 = arith.constant 0 : i32
    %c0_i32_0 = arith.constant 0 : i32
    return %arg0, %c0_i32 : i32, i32
  }
  func.func @transform_4(%arg0: i32) -> (i32, i32) {
    %c0_i32 = arith.constant 0 : i32
    %c0_i32_0 = arith.constant 0 : i32
    return %arg0, %c0_i32 : i32, i32
  }
  func.func @transform_5(%arg0: i32) -> (i32, i32) {
    %c0_i32 = arith.constant 0 : i32
    %c0_i32_0 = arith.constant 0 : i32
    %c0_i32_1 = arith.constant 0 : i32
    return %c0_i32, %c0_i32_0 : i32, i32
  }
  func.func @transform_6(%arg0: i32) -> (i32, i32) {
    %c0_i32 = arith.constant 0 : i32
    %c0_i32_0 = arith.constant 0 : i32
    %c0_i32_1 = arith.constant 0 : i32
    return %c0_i32, %c0_i32_0 : i32, i32
  }
  func.func @transform_7(%arg0: i32) -> (i32, i32) {
    %c0_i32 = arith.constant 0 : i32
    %c0_i32_0 = arith.constant 0 : i32
    %c0_i32_1 = arith.constant 0 : i32
    return %c0_i32, %c0_i32_0 : i32, i32
  }
  func.func @transform_8(%arg0: i32) -> (i32, i32) {
    %c0_i32 = arith.constant 0 : i32
    %c0_i32_0 = arith.constant 0 : i32
    return %arg0, %c0_i32 : i32, i32
  }
}

</mosaic_0001>

<sc_bundles>
// kernel: kernel.4.cloned.1.call-start
scs
__scs_entry_jumppad:
0x0: {  	(pc) =	sbr.rel $0x88, $3  }
0x1: {  	(tag) =	ssettag $0x0;
	lr =	simm.s32 $0x1  }
0x2: {  	[smem:$0x3F9C] =	sst lr;
	_ =	strace $0xD0000000  }
0x3: {  	_ = 	snop  }
0x4: {  	_ = 	snop  }
0x5: {  	_ = 	snop  }
0x6: {  	_ = 	snop  }
0x7: {  	_ = 	snop  }
__scs_overlays_trampoline_lowered:
0x8: {  	[smem:$0x3FAB] =	sst s0  }
0x9: {  	[smem:$0x3FAC] =	sst s1  }
0xa: {  	[smem:$0x3FAD] =	sst s2  }
0xb: {  	[smem:$0x3FAE] =	sst s3  }
0xc: {  	[smem:$0x3FAF] =	sst s4  }
0xd: {  	[smem:$0x3FB0] =	sst s5  }
0xe: {  	[smem:$0x3FB1] =	sst s6  }
0xf: {  	[smem:$0x3FB2] =	sst s7  }
0x10: {  	[smem:$0x3FB3] =	sst s8  }
0x11: {  	[smem:$0x3FB4] =	sst s9;
	s0 =	simm.s32 @!p0 $0x0  }
0x12: {  	s1 =	sld [smem:$0x3F9A];
	s0 =	simm.s32 @p0 $0x1  }
0x13: {  	[smem:$0x3FB5] =	sst s0;
	s0 =	simm.s32 @!p1 $0x0  }
0x14: {  	s2 =	sld [smem:$0x3F99];
	s0 =	simm.s32 @p1 $0x1  }
0x15: {  	[smem:$0x3FB6] =	sst s0;
	s0 =	simm.s32 @!p2 $0x0  }
0x16: {  	s3 =	sld [smem:$0x3FDB];
	s0 =	simm.s32 @p2 $0x1  }
0x17: {  	s4 =	simm.s32 $0x1BF5;
	[smem:$0x3FB8] =	sst s0  }
0x18: {  	s0 =	sld [smem:$0x3F9B];
	_ =	swait.ge [sflag:s4], $0x0  }
0x19: {  	s7 =	sld [smem:$0x3F9C]  }
0x1a: {  	s8 =	sadd.s32 $0xFFFFE003, lr  }
0x1b: {  	s9 =	sadd.s32 $0xFFFFFEF7, lr;
	s5 =	simm.s32 $0xFFFFFFFF;
	p2 =	slt.u32 s8, $0xFFFFF086  }
0x1c: {  	p1 =	slt.u32 s9, $0xF7A;
	s5 =	simm.s32 @!p2 $0x0  }
0x1d: {  	s5 =	simm.s32 @p1 $0x1;
	p0 =	seq.s32 s7, s2  }
0x1e: {  	s7 =	smul.u32 @!p0 $0xF7A, s2;
	p2 =	seq.s32 @!p0 s5, $0x0  }
0x1f: {  	s9 =	smul.u32 $0xF7A, s1;
	s8 =	simm.s32 @!p0 $0x1BF5;
	p2 =	por !p2, p0  }
0x20: {  	[sflag:s8] =	ssyncset.s32 @!p0 $0xFFFFF086;
	s6 =	sadd.s32 @!p0 s3, s7;
	s7 =	simm.s32 @!p0 $0x108  }
0x21: {  	s3 =	sadd.s32 s3, s9;
	s6 =	sadd.s32 @!p0 $0x88, s6;
	s7 =	simm.s32 @p2 $0x1082  }
0x22: {  	[simem:s7], [sflag:s8] =	dma.local @!p0 [hbm:s6], $0xF7A  }
0x23: {  	s9 =	sor.u32 $0xD0000000, s2;
	s6 =	simm.s32 $0x108;
	_ =	swait.ge @!p0 [sflag:s8], $0x0  }
0x24: {  	s3 =	sadd.s32 $0x88, s3;
	s6 =	simm.s32 @!p1 $0x1082;
	[sflag:s4] =	ssyncset.s32 $0xFFFFF086  }
0x25: {  	[simem:s6], [sflag:s4] =	dma.local [hbm:s3], $0xF7A  }
0x26: {  	[smem:$0x3F9C] =	sst s1;
	(tag) =	ssettag s2;
	_ =	strace s9  }
0x27: {  	s1 =	sld [smem:$0x3FAC]  }
0x28: {  	s2 =	sld [smem:$0x3FAD]  }
0x29: {  	s4 =	sld [smem:$0x3FAF]  }
0x2a: {  	p0 =	seq.s32 s5, $0x0;
	s5 =	sld [smem:$0x3FB0]  }
0x2b: {  	s6 =	sld [smem:$0x3FB1]  }
0x2c: {  	s7 =	sld [smem:$0x3FB2]  }
0x2d: {  	s3 =	simm.s32 $0x108;
	s8 =	sld [smem:$0x3FB3]  }
0x2e: {  	s3 =	simm.s32 @!p0 $0x1082;
	s9 =	sld [smem:$0x3FB4]  }
0x2f: {  	lr =	sadd.s32 s0, s3;
	s0 =	sld [smem:$0x3FAB]  }
0x30: {  	s3 =	sld [smem:$0x3FAE]  }
0x31: {  	[smem:$0x3FB7] =	sst s10  }
0x32: {  	s10 =	sld [smem:$0x3FB5];
	_ =	sdelay $0x3  }
0x33: {  	p0 =	seq.s32 s10, $0x1;
	s10 =	sld [smem:$0x3FB7];
	_ =	sdelay $0x3  }
0x34: {  	[smem:$0x3FB7] =	sst s10  }
0x35: {  	s10 =	sld [smem:$0x3FB6];
	_ =	sdelay $0x3  }
0x36: {  	p1 =	seq.s32 s10, $0x1;
	s10 =	sld [smem:$0x3FB7];
	_ =	sdelay $0x3  }
0x37: {  	[smem:$0x3FB7] =	sst s10  }
0x38: {  	s10 =	sld [smem:$0x3FB8]  }
0x39: {  	_ = 	snop;
	(pc) =	sbr.ind lr, $3  }
0x3a: {  	_ = 	snop  }
0x3b: {  	_ = 	snop  }
0x3c: {  	p2 =	seq.s32 s10, $0x1;
	s10 =	sld [smem:$0x3FB7]  }
0x3d: {  	_ =	shalt  }
0x3e: {  	_ =	shalt  }
0x3f: {  	_ =	shalt  }
0x40: {  	_ =	shalt  }
0x41: {  	_ =	shalt  }
0x42: {  	_ =	shalt  }
0x43: {  	_ =	shalt  }
0x44: {  	_ =	shalt  }
0x45: {  	_ =	shalt  }
0x46: {  	_ =	shalt  }
0x47: {  	_ =	shalt  }
0x48: {  	_ =	shalt  }
0x49: {  	_ =	shalt  }
0x4a: {  	_ =	shalt  }
0x4b: {  	_ =	shalt  }
0x4c: {  	_ =	shalt  }
0x4d: {  	_ =	shalt  }
0x4e: {  	_ =	shalt  }
0x4f: {  	_ =	shalt  }
0x50: {  	_ =	shalt  }
0x51: {  	_ =	shalt  }
0x52: {  	_ =	shalt  }
0x53: {  	_ =	shalt  }
0x54: {  	_ =	shalt  }
0x55: {  	_ =	shalt  }
0x56: {  	_ =	shalt  }
0x57: {  	_ =	shalt  }
0x58: {  	_ =	shalt  }
0x59: {  	_ =	shalt  }
0x5a: {  	_ =	shalt  }
0x5b: {  	_ =	shalt  }
0x5c: {  	_ =	shalt  }
0x5d: {  	_ =	shalt  }
0x5e: {  	_ =	shalt  }
0x5f: {  	_ =	shalt  }
0x60: {  	_ =	shalt  }
0x61: {  	_ =	shalt  }
0x62: {  	_ =	shalt  }
0x63: {  	_ =	shalt  }
0x64: {  	_ =	shalt  }
0x65: {  	_ =	shalt  }
0x66: {  	_ =	shalt  }
0x67: {  	_ =	shalt  }
0x68: {  	_ =	shalt  }
0x69: {  	_ =	shalt  }
0x6a: {  	_ =	shalt  }
0x6b: {  	_ =	shalt  }
0x6c: {  	_ =	shalt  }
0x6d: {  	_ =	shalt  }
0x6e: {  	_ =	shalt  }
0x6f: {  	_ =	shalt  }
0x70: {  	_ =	shalt  }
0x71: {  	_ =	shalt  }
0x72: {  	_ =	shalt  }
0x73: {  	_ =	shalt  }
0x74: {  	_ =	shalt  }
0x75: {  	_ =	shalt  }
0x76: {  	_ =	shalt  }
0x77: {  	_ =	shalt  }
0x78: {  	_ =	shalt  }
0x79: {  	_ =	shalt  }
0x7a: {  	_ =	shalt  }
0x7b: {  	_ =	shalt  }
0x7c: {  	_ =	shalt  }
0x7d: {  	_ =	shalt  }
0x7e: {  	_ =	shalt  }
0x7f: {  	_ =	shalt  }
0x80: {  	_ =	shalt  }
0x81: {  	_ =	shalt  }
0x82: {  	_ =	shalt  }
0x83: {  	_ =	shalt  }
0x84: {  	_ =	shalt  }
0x85: {  	_ =	shalt  }
0x86: {  	_ =	shalt  }
0x87: {  	_ =	shalt  }
.Lfunc_end0:
.L_simem_size_0:
called_computation_lowered:
.L_overlay_start_0:
0x88: {  	s2 =	sld [smem:$0x3FD9]  }
0x89: {  	s3 =	sld [smem:$0x3FFE];
	_ =	sdelay $0x1  }
0x8a: {  	s1 =	srdreg.scid  }
0x8b: {  	s0 =	sand.u32 $0x1, s1  }
0x8c: {  	s17 =	sshll.u32 s0, $0xA;
	s2 =	sadd.s32 s3, s2  }
0x8d: {  	s2 =	sadd.s32 s2, s17  }
0x8e: {  	[smem:$0x3FC3] =	sst s2  }
0x8f: {  	_ = 	snop  }
0x90: {  	s2 =	sld [smem:$0x3FC9]  }
0x91: {  	s18 =	sld [smem:$0x3FD0];
	(tm) =	ssettm $0x1  }
0x92: {  	s4 =	sld [smem:$0x3FFB];
	_ =	sdelay $0x3  }
0x93: {  	_ =	strace s4  }
0x94: {  	s4 =	sld [smem:$0x3FFC];
	_ =	sdelay $0x3  }
0x95: {  	_ =	strace s4  }
0x96: {  	s4 =	sld [smem:$0x3FFD];
	_ =	sdelay $0x3  }
0x97: {  	_ =	strace s4  }
0x98: {  	_ =	strace $0x8FFFFFFF  }
0x99: {  	s19 =	sld [smem:$0x3FDB];
	_ =	sdelay $0x1  }
0x9a: {  	s5 =	simm.s32 $_scs_section_size  }
0x9b: {  	s6 =	simm.s32 $_size__tile_overlayer_lowered;
	s7 =	simm.s32 $_tile_overlayer_lowered  }
0x9c: {  	s22 =	simm.s32 $0x1BFF;
	s21 =	sshll.u32 s7, $0x1;
	s4 =	sadd.s32 s5, s19  }
0x9d: {  	s8 =	simm.s32 $0x0;
	s20 =	sshll.u32 s6, $0x1;
	s6 =	sadd.s32 s21, s4  }
0x9e: {  	[timem:s8], [sflag:s22] =	dma.local [hbm:s6], s20  }
0x9f: {  	_ =	swait.ge [sflag:s22], s20  }
0xa0: {  	s5 =	ssub.s32 $0x0, s20;
	[sflag:s22] =	ssyncset.done $0x0  }
0xa1: {  	[sflag:s22] =	ssyncadd.s32 s5;
	_ =	sdelay $0x1  }
0xa2: {  	s23 =	simm.s32 $0x1B8B  }
0xa3: {  	_ =	swait.ge [sflag:s23], $0x1  }
0xa4: {  	[sflag:s23] =	ssyncset.done $0x0  }
0xa5: {  	s25 =	simm.s32 $0x1B8E;
	s24 =	sld [smem:$0x3FFE];
	[sflag:s23] =	ssyncadd.s32 $0xFFFFFFFF  }
0xa6: {  	s26 =	simm.s32 $execute0_lowered;
	[smem:$0x3FD2] =	sst s25  }
0xa7: {  	s6 =	sshll.u32 s26, $0x1;
	_ =	strace $0x80000046;
	[dreg:$0x1] =	wrdreg $0xFFFFFFFF  }
0xa8: {  	s28 =	simm.s32 $_size_execute0_lowered;
	s4 =	sadd.s32 s4, s6;
	[dreg:$0x0] =	wrdreg $0x0  }
0xa9: {  	s6 =	sshll.u32 s28, $0x1;
	[dreg:$0x2] =	wrdreg s4  }
0xaa: {  	[dreg:$0x3] =	wrdreg s6  }
0xab: {  	[dreg:$0x4] =	wrdreg $0xC0  }
0xac: {  	_ =	task [dreg:s8], $0x5FFFF  }
0xad: {  	[dreg:$0x1] =	wrdreg $0xFFFFFFFF  }
0xae: {  	[dreg:$0x0] =	wrdreg $0x60  }
0xaf: {  	[dreg:$0x2] =	wrdreg s2  }
0xb0: {  	[dreg:$0x3] =	wrdreg s18  }
0xb1: {  	[dreg:$0x4] =	wrdreg s24  }
0xb2: {  	[dreg:$0x5] =	wrdreg $0x81000  }
0xb3: {  	[dreg:$0x6] =	wrdreg $0x9  }
0xb4: {  	_ =	task.clear_ibuf [dreg:s8], $0x7FFFF;
	_ =	strace $0x90000046  }
0xb5: {  	s29 =	simm.s32 $0x9;
	_ =	strace $0x80000048  }
0xb6: {  	_ =	swait.ge [sflag:s29], $0x1  }
0xb7: {  	[sflag:s29] =	ssyncadd.s32 $0xFFFFFFFF  }
0xb8: {  	_ =	strace $0x90000048  }
0xb9: {  	_ =	sfence  }
0xba: {  	s30 =	sld [smem:$0x0];
	_ =	sdelay $0x2  }
0xbb: {  	s31 =	sshll.u32 s1, $0xD;
	s1 =	sshrl.u32 s1, $0x2  }
0xbc: {  	s3 =	sand.u32 $0x4000, s31;
	s1 =	sadd.s32 s1, s30  }
0xbd: {  	s0 =	sor.u32 s3, s0;
	s1 =	sshll.u32 s1, $0x11  }
0xbe: {  	s0 =	sor.u32 s1, s0  }
0xbf: {  	s0 =	sadd.s32 $0x8F2B, s0  }
0xc0: {  	[sflag:s0] =	ssyncadd.remote.s32 $0x1  }
0xc1: {  	_ =	sfence.sel $0xFFFF  }
0xc2: {  	[dreg:$0x0] =	wrdreg $0xFFFFFFFF;
	(pc) =	sbr.abs _section_cstart, $3  }
0xc3: {  	[dreg:$0x1] =	wrdreg $0xFFFFFFFF  }
0xc4: {  	_ =	task.clear_ibuf [dreg:s8], $0x2FFFF;
	_ =	strace $0x9FFFFFFF  }
0xc5: {  	(tm) =	ssettm $0x7FFFFFFF  }
tec
execute0_lowered:
.L_overlay_start_1:
0x0: {  	(tag) =	ssettag $0x1  }
0x1: {  	s1 =	rddreg [dreg:$0x0]  }
0x2: {  	s0 =	rddreg [dreg:$0x1]  }
0x3: {  	s4 =	rddreg [dreg:$0x2]  }
0x4: {  	s2 =	rddreg [dreg:$0x3];
	s3 =	simm.s32 $0x0;
	s5 =	srdreg.scid  }
0x5: {  	s17 =	stileid.u32;
	[smem:$0x7FF] =	sst s3  }
0x6: {  	s5 =	sand.u32 $0x1, s5;
	s7 =	smul.u32 $0x14000, s17;
	s9 =	sadd.s32 $0xDE00, s4  }
0x7: {  	s11 =	sadd.s32 $0x5DE00, s4;
	s6 =	smul.u32 $0x4F00, s5;
	_ =	strace $0x80000047  }
0x8: {  	s10 =	smul.u32 $0x140000, s5;
	s5 =	ssub.s32 $0x2, s5;
	s12 =	sadd.s32 $0x4000, s7  }
0x9: {  	s13 =	sshrl.u32 s5, $0x1;
	s25 =	sadd.s32 $0x8000, s7;
	s8 =	sadd.s32 s6, s4  }
0xa: {  	s14 =	sadd.s32 s10, s7;
	s15 =	sadd.s32 s10, s12;
	s5 =	ssub.s32 s5, s13  }
0xb: {  	s18 =	sadd.s32 s10, s25;
	s0 =	sadd.s32 s6, s0;
	s23 =	sshrl.u32 s14, $0x3  }
0xc: {  	s25 =	sadd.s32 s25, s2;
	s24 =	sshrl.u32 s15, $0x3;
	s26 =	sadd.s32 s9, s23  }
0xd: {  	s15 =	sshrl.u32 s18, $0x3;
	s16 =	sadd.s32 s9, s24;
	[dreg:$0x5] =	wrdreg s26  }
0xe: {  	s6 =	simm.s32 $0x2;
	s18 =	sadd.s32 s9, s15;
	[dreg:$0x6] =	wrdreg s16  }
0xf: {  	s14 =	smul.u32 $0x50000, s17;
	s20 =	sadd.s32 s11, s23;
	[dreg:$0x7] =	wrdreg s18  }
0x10: {  	s21 =	sadd.s32 s11, s24;
	s22 =	sadd.s32 s11, s15;
	[dreg:$0xa] =	wrdreg s20  }
0x11: {  	s23 =	smul.u32 $0x4F0, s17;
	s15 =	sadd.s32 $0xB600, s4;
	[dreg:$0xb] =	wrdreg s21  }
0x12: {  	s26 =	sadd.s32 $0xC000, s7;
	s7 =	sadd.s32 $0x10000, s7;
	[dreg:$0xc] =	wrdreg s22  }
0x13: {  	s20 =	sadd.s32 $0xBE00, s4;
	s21 =	sadd.s32 $0xC600, s4;
	s16 =	sadd.s32 s10, s26  }
0x14: {  	s22 =	sadd.s32 $0xCE00, s4;
	s10 =	sadd.s32 s10, s7;
	s16 =	sshrl.u32 s16, $0x3  }
0x15: {  	s17 =	sadd.s32 s23, s8;
	s10 =	sshrl.u32 s10, $0x3;
	s19 =	sadd.s32 s9, s16  }
0x16: {  	s26 =	sadd.s32 s26, s2;
	s9 =	sadd.s32 s9, s10;
	[dreg:$0x8] =	wrdreg s19  }
0x17: {  	s28 =	sadd.s32 s7, s2;
	s24 =	sadd.s32 s11, s16;
	[dreg:$0x9] =	wrdreg s9  }
0x18: {  	s7 =	simm.s32 $0x4100;
	s10 =	sadd.s32 s11, s10;
	[dreg:$0xd] =	wrdreg s24  }
0x19: {  	s16 =	sadd.s32 s23, s0;
	s23 =	sadd.s32 $0xAE00, s4;
	[dreg:$0xe] =	wrdreg s10  }
0x1a: {  	s8 =	simm.s32 $0x80;
	s29 =	sadd.s32 $0x1000, s17;
	[dreg:$0xf] =	wrdreg s23  }
0x1b: {  	s24 =	sshrl.u32 s14, $0x2;
	s19 =	smax.u32 s5, $0x1;
	s23 =	sadd.s32 $0xD600, s4  }
0x1c: {  	s5 =	simm.s32 $0x100;
	s9 =	simm.s32 $0x1;
	s18 =	sadd.s32 s24, s2  }
0x1d: {  	s10 =	simm.s32 $0x0;
	s24 =	sadd.s32 s12, s2;
	s30 =	sadd.s32 $0x4000, s18  }
0x1e: {  	s31 =	sadd.s32 $0x8000, s18;
	s0 =	sadd.s32 $0xC000, s18;
	s4 =	sadd.s32 $0x10000, s18  }
.LBB2_1:
0x1f: {  	[tilespmem:s5], [sflag:$0x2] =	stream.linear.gather [hbm4b:s15+s3], $0x4000, $0x38;
	[tilespmem:$0x1C100] =	vst v63  }
0x20: {  	_ =	swait.ge [sflag:s6], $0x4000  }
0x21: {  	[sflag:s6] =	ssyncset.done $0x0  }
0x22: {  	[sflag:s6] =	ssyncadd.s32 $0xFFFFC000  }
0x23: {  	[spmem:s18] =	stream.linear.scatter [tilespmem:s5], [sflag:$0x2], $0x4000, $0x38;
	[tilespmem:$0x1C100] =	vst v63  }
0x24: {  	_ =	swait.ge [sflag:s6], $0x4000  }
0x25: {  	[sflag:s6] =	ssyncset.done $0x0  }
0x26: {  	[sflag:s6] =	ssyncadd.s32 $0xFFFFC000  }
0x27: {  	[tilespmem:s5], [sflag:$0x2] =	stream.linear.gather [hbm4b:s20+s3], $0x4000, $0x38;
	[tilespmem:$0x1C100] =	vst v63  }
0x28: {  	_ =	swait.ge [sflag:s6], $0x4000  }
0x29: {  	[sflag:s6] =	ssyncset.done $0x0  }
0x2a: {  	[sflag:s6] =	ssyncadd.s32 $0xFFFFC000  }
0x2b: {  	[spmem:s30] =	stream.linear.scatter [tilespmem:s5], [sflag:$0x2], $0x4000, $0x38;
	[tilespmem:$0x1C100] =	vst v63  }
0x2c: {  	_ =	swait.ge [sflag:s6], $0x4000  }
0x2d: {  	[sflag:s6] =	ssyncset.done $0x0  }
0x2e: {  	[sflag:s6] =	ssyncadd.s32 $0xFFFFC000  }
0x2f: {  	[tilespmem:s5], [sflag:$0x2] =	stream.linear.gather [hbm4b:s21+s3], $0x4000, $0x38;
	[tilespmem:$0x1C100] =	vst v63  }
0x30: {  	_ =	swait.ge [sflag:s6], $0x4000  }
0x31: {  	[sflag:s6] =	ssyncset.done $0x0  }
0x32: {  	[sflag:s6] =	ssyncadd.s32 $0xFFFFC000  }
0x33: {  	[spmem:s31] =	stream.linear.scatter [tilespmem:s5], [sflag:$0x2], $0x4000, $0x38;
	[tilespmem:$0x1C100] =	vst v63  }
0x34: {  	_ =	swait.ge [sflag:s6], $0x4000  }
0x35: {  	[sflag:s6] =	ssyncset.done $0x0  }
0x36: {  	[sflag:s6] =	ssyncadd.s32 $0xFFFFC000  }
0x37: {  	[tilespmem:s5], [sflag:$0x2] =	stream.linear.gather [hbm4b:s22+s3], $0x4000, $0x38;
	[tilespmem:$0x1C100] =	vst v63  }
0x38: {  	_ =	swait.ge [sflag:s6], $0x4000  }
0x39: {  	[sflag:s6] =	ssyncset.done $0x0  }
0x3a: {  	[sflag:s6] =	ssyncadd.s32 $0xFFFFC000  }
0x3b: {  	[spmem:s0] =	stream.linear.scatter [tilespmem:s5], [sflag:$0x2], $0x4000, $0x38;
	[tilespmem:$0x1C100] =	vst v63  }
0x3c: {  	_ =	swait.ge [sflag:s6], $0x4000  }
0x3d: {  	[sflag:s6] =	ssyncset.done $0x0  }
0x3e: {  	[sflag:s6] =	ssyncadd.s32 $0xFFFFC000  }
0x3f: {  	[tilespmem:s5], [sflag:$0x2] =	stream.linear.gather [hbm4b:s23+s3], $0x4000, $0x38;
	[tilespmem:$0x1C100] =	vst v63  }
0x40: {  	_ =	swait.ge [sflag:s6], $0x4000  }
0x41: {  	[sflag:s6] =	ssyncset.done $0x0  }
0x42: {  	[sflag:s6] =	ssyncadd.s32 $0xFFFFC000  }
0x43: {  	[spmem:s4] =	stream.linear.scatter [tilespmem:s5], [sflag:$0x2], $0x4000, $0x38;
	[tilespmem:$0x1C100] =	vst v63  }
0x44: {  	_ =	swait.ge [sflag:s6], $0x4000  }
0x45: {  	[sflag:s6] =	ssyncset.done $0x0  }
0x46: {  	s11 =	rddreg [dreg:$0xf];
	[sflag:s6] =	ssyncadd.s32 $0xFFFFC000  }
0x47: {  	[tilespmem:s7], [sflag:$0x2] =	stream.linear.gather [hbm4b:s11+s3], $0x4000, $0x38;
	[tilespmem:$0x1C100] =	vst v63  }
0x48: {  	_ =	swait.ge [sflag:s6], $0x4000  }
0x49: {  	[sflag:s6] =	ssyncset.done $0x0  }
0x4a: {  	[sflag:s6] =	ssyncadd.s32 $0xFFFFC000  }
0x4b: {  	s14 =	sadd.s32 $0x0, s16;
	[bflag:$0x0] =	sbarrier.arrive $0xFFFF  }
0x4c: {  	[tilespmem:s3], [sflag:$0x2] =	stream.linear.gather [hbm4b:s14+s3], $0x80, $0x38;
	[tilespmem:$0x1C100] =	vst v63  }
0x4d: {  	_ =	swait.ge [sflag:s6], $0x80  }
0x4e: {  	[sflag:s6] =	ssyncset.done $0x0  }
0x4f: {  	s17 =	sadd.s32 $0x0, s29;
	[sflag:s6] =	ssyncadd.s32 $0xFFFFFF80  }
0x50: {  	[tilespmem:s8], [sflag:$0x2] =	stream.linear.gather [hbm4b:s17+s3], $0x80, $0x38;
	[tilespmem:$0x1C100] =	vst v63  }
0x51: {  	_ =	swait.ge [sflag:s6], $0x80  }
0x52: {  	[sflag:s6] =	ssyncset.done $0x0  }
0x53: {  	[sflag:s6] =	ssyncadd.s32 $0xFFFFFF80  }
0x54: {  	[tilespmem:s5], [sflag:$0x1] =	stream.indirect.gather [hbm4b:s1+s8], $0x80, s3, s8, $0xb8;
	[tilespmem:$0x1C100] =	vst v63  }
0x55: {  	_ =	swait.ge [sflag:s9], $0x4000  }
0x56: {  	[sflag:s9] =	ssyncset.done $0x0  }
0x57: {  	[sflag:s9] =	ssyncadd.s32 $0xFFFFC000  }
0x58: {  	[spmem:s2] =	stream.indirect.scatter.add.f32 [tilespmem:s5], [sflag:$0x2], $0x80, s8, s8, $0xb8;
	[tilespmem:$0x1C100] =	vst v63  }
0x59: {  	_ =	swait.ge [sflag:s6], $0x4000  }
0x5a: {  	s12 =	simm.s32 $0x20;
	s11 =	simm.s32 $0x10;
	[sflag:s6] =	ssyncset.done $0x0  }
.LBB2_2:
0x5b: {  	s13 =	sadd.s32 s11, s16  }
0x5c: {  	[sflag:s6] =	ssyncadd.s32 $0xFFFFC000;
	s14 =	smov.u32 s12;
	s17 =	sadd.s32 $0x10, s12  }
0x5d: {  	[tilespmem:s3], [sflag:$0x2] =	stream.linear.gather [hbm4b:s13+s3], $0x80, $0x38;
	[tilespmem:$0x1C100] =	vst v63  }
0x5e: {  	p0 =	sne.s32 s12, $0x4E0;
	_ =	swait.ge [sflag:s6], $0x80  }
0x5f: {  	[sflag:s6] =	ssyncset.done $0x0  }
0x60: {  	s12 =	sadd.s32 s11, s29;
	s11 =	smov.u32 s14;
	[sflag:s6] =	ssyncadd.s32 $0xFFFFFF80  }
0x61: {  	[tilespmem:s8], [sflag:$0x2] =	stream.linear.gather [hbm4b:s12+s3], $0x80, $0x38;
	[tilespmem:$0x1C100] =	vst v63  }
0x62: {  	_ =	swait.ge [sflag:s6], $0x80  }
0x63: {  	[sflag:s6] =	ssyncset.done $0x0  }
0x64: {  	[sflag:s6] =	ssyncadd.s32 $0xFFFFFF80  }
0x65: {  	[tilespmem:s5], [sflag:$0x1] =	stream.indirect.gather [hbm4b:s1+s8], $0x80, s3, s8, $0xb8;
	[tilespmem:$0x1C100] =	vst v63  }
0x66: {  	_ =	swait.ge [sflag:s9], $0x4000  }
.Ltmp0:
0x67: {  	[sflag:s9] =	ssyncset.done $0x0;
	(pc) =	sbr.rel @p0 .LBB2_2-.Ltmp0, $4  }
0x68: {  	[sflag:s9] =	ssyncadd.s32 $0xFFFFC000  }
0x69: {  	[spmem:s2] =	stream.indirect.scatter.add.f32 [tilespmem:s5], [sflag:$0x2], $0x80, s8, s8, $0xb8;
	[tilespmem:$0x1C100] =	vst v63  }
0x6a: {  	_ =	swait.ge [sflag:s6], $0x4000  }
0x6b: {  	s12 =	smov.u32 s17;
	[sflag:s6] =	ssyncset.done $0x0  }
0x6c: {  	s12 =	sadd.s32 s11, s16;
	[sflag:s6] =	ssyncadd.s32 $0xFFFFC000  }
0x6d: {  	[tilespmem:s3], [sflag:$0x2] =	stream.linear.gather [hbm4b:s12+s3], $0x80, $0x38;
	[tilespmem:$0x1C100] =	vst v63  }
0x6e: {  	_ =	swait.ge [sflag:s6], $0x80  }
0x6f: {  	[sflag:s6] =	ssyncset.done $0x0  }
0x70: {  	s12 =	sadd.s32 s11, s29;
	[sflag:s6] =	ssyncadd.s32 $0xFFFFFF80  }
0x71: {  	[tilespmem:s8], [sflag:$0x2] =	stream.linear.gather [hbm4b:s12+s3], $0x80, $0x38;
	[tilespmem:$0x1C100] =	vst v63  }
0x72: {  	_ =	swait.ge [sflag:s6], $0x80  }
0x73: {  	[sflag:s6] =	ssyncset.done $0x0  }
0x74: {  	[sflag:s6] =	ssyncadd.s32 $0xFFFFFF80  }
0x75: {  	[tilespmem:s5], [sflag:$0x1] =	stream.indirect.gather [hbm4b:s1+s8], $0x80, s3, s8, $0xb8;
	[tilespmem:$0x1C100] =	vst v63  }
0x76: {  	_ =	swait.ge [sflag:s9], $0x4000  }
0x77: {  	[sflag:s9] =	ssyncset.done $0x0  }
0x78: {  	[sflag:s9] =	ssyncadd.s32 $0xFFFFC000  }
0x79: {  	[spmem:s2] =	stream.indirect.scatter.add.f32 [tilespmem:s5], [sflag:$0x2], $0x80, s8, s8, $0xb8;
	[tilespmem:$0x1C100] =	vst v63  }
0x7a: {  	_ =	swait.ge [sflag:s6], $0x4000  }
0x7b: {  	[sflag:s6] =	ssyncset.done $0x0  }
0x7c: {  	[sflag:s6] =	ssyncadd.s32 $0xFFFFC000  }
0x7d: {  	[bflag:$0x0] =	sbarrier.arrive $0xFFFF  }
0x7e: {  	[tilespmem:s5], [sflag:$0x2] =	stream.linear.gather [spmem:s18], $0x4000, $0x38;
	[tilespmem:$0x1C100] =	vst v63  }
0x7f: {  	_ =	swait.ge [sflag:s6], $0x4000  }
0x80: {  	[sflag:s6] =	ssyncset.done $0x0  }
0x81: {  	s11 =	simm.s32 $0x0;
	s13 =	rddreg [dreg:$0x5];
	[sflag:s6] =	ssyncadd.s32 $0xFFFFC000  }
0x82: {  	[hbm4b:s13+s11] =	stream.linear.scatter [tilespmem:s5], [sflag:$0x2], $0x4000, $0x38;
	[tilespmem:$0x1C100] =	vst v63  }
0x83: {  	_ =	swait.ge [sflag:s6], $0x4000  }
0x84: {  	[sflag:s6] =	ssyncset.done $0x0  }
0x85: {  	[sflag:s6] =	ssyncadd.s32 $0xFFFFC000  }
0x86: {  	[tilespmem:s5], [sflag:$0x2] =	stream.linear.gather [spmem:s24], $0x4000, $0x38;
	[tilespmem:$0x1C100] =	vst v63  }
0x87: {  	_ =	swait.ge [sflag:s6], $0x4000  }
0x88: {  	[sflag:s6] =	ssyncset.done $0x0  }
0x89: {  	s14 =	rddreg [dreg:$0x6];
	[sflag:s6] =	ssyncadd.s32 $0xFFFFC000  }
0x8a: {  	[hbm4b:s14+s11] =	stream.linear.scatter [tilespmem:s5], [sflag:$0x2], $0x4000, $0x38;
	[tilespmem:$0x1C100] =	vst v63  }
0x8b: {  	_ =	swait.ge [sflag:s6], $0x4000  }
0x8c: {  	[sflag:s6] =	ssyncset.done $0x0  }
0x8d: {  	[sflag:s6] =	ssyncadd.s32 $0xFFFFC000  }
0x8e: {  	[tilespmem:s5], [sflag:$0x2] =	stream.linear.gather [spmem:s25], $0x4000, $0x38;
	[tilespmem:$0x1C100] =	vst v63  }
0x8f: {  	_ =	swait.ge [sflag:s6], $0x4000  }
0x90: {  	[sflag:s6] =	ssyncset.done $0x0  }
0x91: {  	s17 =	rddreg [dreg:$0x7];
	[sflag:s6] =	ssyncadd.s32 $0xFFFFC000  }
0x92: {  	[hbm4b:s17+s11] =	stream.linear.scatter [tilespmem:s5], [sflag:$0x2], $0x4000, $0x38;
	[tilespmem:$0x1C100] =	vst v63  }
0x93: {  	_ =	swait.ge [sflag:s6], $0x4000  }
0x94: {  	[sflag:s6] =	ssyncset.done $0x0  }
0x95: {  	[sflag:s6] =	ssyncadd.s32 $0xFFFFC000  }
0x96: {  	[tilespmem:s5], [sflag:$0x2] =	stream.linear.gather [spmem:s26], $0x4000, $0x38;
	[tilespmem:$0x1C100] =	vst v63  }
0x97: {  	_ =	swait.ge [sflag:s6], $0x4000  }
0x98: {  	[sflag:s6] =	ssyncset.done $0x0  }
0x99: {  	s13 =	rddreg [dreg:$0x8];
	[sflag:s6] =	ssyncadd.s32 $0xFFFFC000  }
0x9a: {  	[hbm4b:s13+s11] =	stream.linear.scatter [tilespmem:s5], [sflag:$0x2], $0x4000, $0x38;
	[tilespmem:$0x1C100] =	vst v63  }
0x9b: {  	_ =	swait.ge [sflag:s6], $0x4000  }
0x9c: {  	[sflag:s6] =	ssyncset.done $0x0  }
0x9d: {  	[sflag:s6] =	ssyncadd.s32 $0xFFFFC000  }
0x9e: {  	[tilespmem:s5], [sflag:$0x2] =	stream.linear.gather [spmem:s28], $0x4000, $0x38;
	[tilespmem:$0x1C100] =	vst v63  }
0x9f: {  	_ =	swait.ge [sflag:s6], $0x4000  }
0xa0: {  	[sflag:s6] =	ssyncset.done $0x0  }
0xa1: {  	s14 =	rddreg [dreg:$0x9];
	[sflag:s6] =	ssyncadd.s32 $0xFFFFC000  }
0xa2: {  	[hbm4b:s14+s11] =	stream.linear.scatter [tilespmem:s5], [sflag:$0x2], $0x4000, $0x38;
	[tilespmem:$0x1C100] =	vst v63  }
0xa3: {  	_ =	swait.ge [sflag:s6], $0x4000  }
0xa4: {  	[sflag:s6] =	ssyncset.done $0x0  }
0xa5: {  	[sflag:s6] =	ssyncadd.s32 $0xFFFFC000  }
0xa6: {  	[bflag:$0x0] =	sbarrier.arrive $0xFFFF  }
0xa7: {  	[tilespmem:s5], [sflag:$0x2] =	stream.linear.gather [hbm4b:s15+s11], $0x4000, $0x38;
	[tilespmem:$0x1C100] =	vst v63  }
0xa8: {  	_ =	swait.ge [sflag:s6], $0x4000  }
0xa9: {  	[sflag:s6] =	ssyncset.done $0x0  }
0xaa: {  	[sflag:s6] =	ssyncadd.s32 $0xFFFFC000  }
0xab: {  	[spmem:s18] =	stream.linear.scatter [tilespmem:s5], [sflag:$0x2], $0x4000, $0x38;
	[tilespmem:$0x1C100] =	vst v63  }
0xac: {  	_ =	swait.ge [sflag:s6], $0x4000  }
0xad: {  	[sflag:s6] =	ssyncset.done $0x0  }
0xae: {  	[sflag:s6] =	ssyncadd.s32 $0xFFFFC000  }
0xaf: {  	[tilespmem:s5], [sflag:$0x2] =	stream.linear.gather [hbm4b:s20+s11], $0x4000, $0x38;
	[tilespmem:$0x1C100] =	vst v63  }
0xb0: {  	_ =	swait.ge [sflag:s6], $0x4000  }
0xb1: {  	[sflag:s6] =	ssyncset.done $0x0  }
0xb2: {  	[sflag:s6] =	ssyncadd.s32 $0xFFFFC000  }
0xb3: {  	[spmem:s30] =	stream.linear.scatter [tilespmem:s5], [sflag:$0x2], $0x4000, $0x38;
	[tilespmem:$0x1C100] =	vst v63  }
0xb4: {  	_ =	swait.ge [sflag:s6], $0x4000  }
0xb5: {  	[sflag:s6] =	ssyncset.done $0x0  }
0xb6: {  	[sflag:s6] =	ssyncadd.s32 $0xFFFFC000  }
0xb7: {  	[tilespmem:s5], [sflag:$0x2] =	stream.linear.gather [hbm4b:s21+s11], $0x4000, $0x38;
	[tilespmem:$0x1C100] =	vst v63  }
0xb8: {  	_ =	swait.ge [sflag:s6], $0x4000  }
0xb9: {  	[sflag:s6] =	ssyncset.done $0x0  }
0xba: {  	[sflag:s6] =	ssyncadd.s32 $0xFFFFC000  }
0xbb: {  	[spmem:s31] =	stream.linear.scatter [tilespmem:s5], [sflag:$0x2], $0x4000, $0x38;
	[tilespmem:$0x1C100] =	vst v63  }
0xbc: {  	_ =	swait.ge [sflag:s6], $0x4000  }
0xbd: {  	[sflag:s6] =	ssyncset.done $0x0  }
0xbe: {  	[sflag:s6] =	ssyncadd.s32 $0xFFFFC000  }
0xbf: {  	[tilespmem:s5], [sflag:$0x2] =	stream.linear.gather [hbm4b:s22+s11], $0x4000, $0x38;
	[tilespmem:$0x1C100] =	vst v63  }
0xc0: {  	_ =	swait.ge [sflag:s6], $0x4000  }
0xc1: {  	[sflag:s6] =	ssyncset.done $0x0  }
0xc2: {  	[sflag:s6] =	ssyncadd.s32 $0xFFFFC000  }
0xc3: {  	[spmem:s0] =	stream.linear.scatter [tilespmem:s5], [sflag:$0x2], $0x4000, $0x38;
	[tilespmem:$0x1C100] =	vst v63  }
0xc4: {  	_ =	swait.ge [sflag:s6], $0x4000  }
0xc5: {  	[sflag:s6] =	ssyncset.done $0x0  }
0xc6: {  	[sflag:s6] =	ssyncadd.s32 $0xFFFFC000  }
0xc7: {  	[tilespmem:s5], [sflag:$0x2] =	stream.linear.gather [hbm4b:s23+s11], $0x4000, $0x38;
	[tilespmem:$0x1C100] =	vst v63  }
0xc8: {  	_ =	swait.ge [sflag:s6], $0x4000  }
0xc9: {  	[sflag:s6] =	ssyncset.done $0x0  }
0xca: {  	[sflag:s6] =	ssyncadd.s32 $0xFFFFC000  }
0xcb: {  	[spmem:s4] =	stream.linear.scatter [tilespmem:s5], [sflag:$0x2], $0x4000, $0x38;
	[tilespmem:$0x1C100] =	vst v63  }
0xcc: {  	_ =	swait.ge [sflag:s6], $0x4000  }
0xcd: {  	[sflag:s6] =	ssyncset.done $0x0  }
0xce: {  	[sflag:s6] =	ssyncadd.s32 $0xFFFFC000  }
0xcf: {  	s17 =	sadd.s32 $0x0, s29;
	[bflag:$0x0] =	sbarrier.arrive $0xFFFF  }
0xd0: {  	[tilespmem:s8], [sflag:$0x2] =	stream.linear.gather [hbm4b:s17+s3], $0x80, $0x38;
	[tilespmem:$0x1C100] =	vst v63  }
0xd1: {  	_ =	swait.ge [sflag:s6], $0x80  }
0xd2: {  	[sflag:s6] =	ssyncset.done $0x0  }
0xd3: {  	[sflag:s6] =	ssyncadd.s32 $0xFFFFFF80  }
0xd4: {  	[spmem:s2] =	stream.indirect.scatter.add.f32 [tilespmem:s7], [sflag:$0x2], $0x80, s8, s8, $0xb8;
	[tilespmem:$0x1C100] =	vst v63  }
0xd5: {  	_ =	swait.ge [sflag:s6], $0x4000  }
0xd6: {  	s12 =	simm.s32 $0x20;
	s11 =	simm.s32 $0x10;
	[sflag:s6] =	ssyncset.done $0x0  }
.LBB2_4:
0xd7: {  	s13 =	sadd.s32 s11, s29  }
0xd8: {  	[sflag:s6] =	ssyncadd.s32 $0xFFFFC000;
	s11 =	smov.u32 s12;
	s14 =	sadd.s32 $0x10, s12  }
0xd9: {  	[tilespmem:s8], [sflag:$0x2] =	stream.linear.gather [hbm4b:s13+s3], $0x80, $0x38;
	[tilespmem:$0x1C100] =	vst v63  }
0xda: {  	p0 =	sne.s32 s12, $0x4E0;
	_ =	swait.ge [sflag:s6], $0x80  }
.Ltmp1:
0xdb: {  	[sflag:s6] =	ssyncset.done $0x0;
	(pc) =	sbr.rel @p0 .LBB2_4-.Ltmp1, $4  }
0xdc: {  	[sflag:s6] =	ssyncadd.s32 $0xFFFFFF80  }
0xdd: {  	[spmem:s2] =	stream.indirect.scatter.add.f32 [tilespmem:s7], [sflag:$0x2], $0x80, s8, s8, $0xb8;
	[tilespmem:$0x1C100] =	vst v63  }
0xde: {  	_ =	swait.ge [sflag:s6], $0x4000  }
0xdf: {  	s12 =	smov.u32 s14;
	[sflag:s6] =	ssyncset.done $0x0  }
0xe0: {  	s11 =	sadd.s32 s11, s29;
	[sflag:s6] =	ssyncadd.s32 $0xFFFFC000  }
0xe1: {  	[tilespmem:s8], [sflag:$0x2] =	stream.linear.gather [hbm4b:s11+s3], $0x80, $0x38;
	[tilespmem:$0x1C100] =	vst v63  }
0xe2: {  	_ =	swait.ge [sflag:s6], $0x80  }
0xe3: {  	[sflag:s6] =	ssyncset.done $0x0  }
0xe4: {  	[sflag:s6] =	ssyncadd.s32 $0xFFFFFF80  }
0xe5: {  	[spmem:s2] =	stream.indirect.scatter.add.f32 [tilespmem:s7], [sflag:$0x2], $0x80, s8, s8, $0xb8;
	[tilespmem:$0x1C100] =	vst v63  }
0xe6: {  	_ =	swait.ge [sflag:s6], $0x4000  }
0xe7: {  	[sflag:s6] =	ssyncset.done $0x0  }
0xe8: {  	[sflag:s6] =	ssyncadd.s32 $0xFFFFC000  }
0xe9: {  	[bflag:$0x0] =	sbarrier.arrive $0xFFFF  }
0xea: {  	[tilespmem:s5], [sflag:$0x2] =	stream.linear.gather [spmem:s18], $0x4000, $0x38;
	[tilespmem:$0x1C100] =	vst v63  }
0xeb: {  	_ =	swait.ge [sflag:s6], $0x4000  }
0xec: {  	[sflag:s6] =	ssyncset.done $0x0  }
0xed: {  	s17 =	rddreg [dreg:$0xa];
	[sflag:s6] =	ssyncadd.s32 $0xFFFFC000  }
0xee: {  	[hbm4b:s17+s3] =	stream.linear.scatter [tilespmem:s5], [sflag:$0x2], $0x4000, $0x38;
	[tilespmem:$0x1C100] =	vst v63  }
0xef: {  	_ =	swait.ge [sflag:s6], $0x4000  }
0xf0: {  	[sflag:s6] =	ssyncset.done $0x0  }
0xf1: {  	[sflag:s6] =	ssyncadd.s32 $0xFFFFC000  }
0xf2: {  	[tilespmem:s5], [sflag:$0x2] =	stream.linear.gather [spmem:s24], $0x4000, $0x38;
	[tilespmem:$0x1C100] =	vst v63  }
0xf3: {  	_ =	swait.ge [sflag:s6], $0x4000  }
0xf4: {  	[sflag:s6] =	ssyncset.done $0x0  }
0xf5: {  	s12 =	rddreg [dreg:$0xb];
	[sflag:s6] =	ssyncadd.s32 $0xFFFFC000  }
0xf6: {  	[hbm4b:s12+s3] =	stream.linear.scatter [tilespmem:s5], [sflag:$0x2], $0x4000, $0x38;
	[tilespmem:$0x1C100] =	vst v63  }
0xf7: {  	_ =	swait.ge [sflag:s6], $0x4000  }
0xf8: {  	[sflag:s6] =	ssyncset.done $0x0  }
0xf9: {  	[sflag:s6] =	ssyncadd.s32 $0xFFFFC000  }
0xfa: {  	[tilespmem:s5], [sflag:$0x2] =	stream.linear.gather [spmem:s25], $0x4000, $0x38;
	[tilespmem:$0x1C100] =	vst v63  }
0xfb: {  	_ =	swait.ge [sflag:s6], $0x4000  }
0xfc: {  	[sflag:s6] =	ssyncset.done $0x0  }
0xfd: {  	s13 =	rddreg [dreg:$0xc];
	[sflag:s6] =	ssyncadd.s32 $0xFFFFC000  }
0xfe: {  	[hbm4b:s13+s3] =	stream.linear.scatter [tilespmem:s5], [sflag:$0x2], $0x4000, $0x38;
	[tilespmem:$0x1C100] =	vst v63  }
0xff: {  	_ =	swait.ge [sflag:s6], $0x4000  }
0x100: {  	[sflag:s6] =	ssyncset.done $0x0  }
0x101: {  	[sflag:s6] =	ssyncadd.s32 $0xFFFFC000  }
0x102: {  	[tilespmem:s5], [sflag:$0x2] =	stream.linear.gather [spmem:s26], $0x4000, $0x38;
	[tilespmem:$0x1C100] =	vst v63  }
0x103: {  	_ =	swait.ge [sflag:s6], $0x4000  }
0x104: {  	[sflag:s6] =	ssyncset.done $0x0  }
0x105: {  	s14 =	rddreg [dreg:$0xd];
	[sflag:s6] =	ssyncadd.s32 $0xFFFFC000  }
0x106: {  	[hbm4b:s14+s3] =	stream.linear.scatter [tilespmem:s5], [sflag:$0x2], $0x4000, $0x38;
	[tilespmem:$0x1C100] =	vst v63  }
0x107: {  	_ =	swait.ge [sflag:s6], $0x4000  }
0x108: {  	[sflag:s6] =	ssyncset.done $0x0  }
0x109: {  	[sflag:s6] =	ssyncadd.s32 $0xFFFFC000  }
0x10a: {  	[tilespmem:s5], [sflag:$0x2] =	stream.linear.gather [spmem:s28], $0x4000, $0x38;
	[tilespmem:$0x1C100] =	vst v63  }
0x10b: {  	s10 =	sadd.s32 $0x1, s10;
	_ =	swait.ge [sflag:s6], $0x4000  }
0x10c: {  	p0 =	sne.s32 s10, s19;
	[sflag:s6] =	ssyncset.done $0x0  }
.Ltmp2:
0x10d: {  	s17 =	rddreg [dreg:$0xe];
	[sflag:s6] =	ssyncadd.s32 $0xFFFFC000;
	(pc) =	sbr.rel @p0 .LBB2_1-.Ltmp2, $4  }
0x10e: {  	[hbm4b:s17+s3] =	stream.linear.scatter [tilespmem:s5], [sflag:$0x2], $0x4000, $0x38;
	[tilespmem:$0x1C100] =	vst v63  }
0x10f: {  	_ =	swait.ge [sflag:s6], $0x4000  }
0x110: {  	[sflag:s6] =	ssyncset.done $0x0  }
0x111: {  	[sflag:s6] =	ssyncadd.s32 $0xFFFFC000  }
0x112: {  	_ =	sfence.sel $0x180000  }
0x113: {  	[bflag:$0x0] =	sbarrier.arrive $0xFFFF  }
0x114: {  	_ =	strace $0x90000047  }
0x115: {  	s0 =	stileid.u32;
	[bflag:$0x2] =	sbarrier.arrive $0xFFFF  }
0x116: {  	p0 =	sne.s32 s0, $0x0;
	s0 =	rddreg [dreg:$0x4]  }
0x117: {  	s0 =	sadd.s32 @!p0 $0x100000, s0  }
0x118: {  	[sflag:s0] =	ssyncadd.tile.s32 @!p0 $0x1;
	_ =	shalt  }
.Lfunc_end2:
_tile_overlayer_lowered:
.L_overlay_start_2:
0x119: {  	(tag) =	ssettag $0x2  }
0x11a: {  	s0 =	rddreg [dreg:$0x0];
	s2 =	stileid.u32  }
0x11b: {  	s1 =	rddreg [dreg:$0x1];
	p0 =	sne.s32 s2, $0x0  }
0x11c: {  	s3 =	rddreg [dreg:$0x2];
	[bflag:$0x3] =	sbarrier.arrive $0xFFFF;
	s2 =	simm.s32 @!p0 $0x1C02  }
0x11d: {  	[timem:s3], [sflag:s2] =	dma.local @!p0 [hbm:s0], s1  }
0x11e: {  	s0 =	simm.s32 @!p0 $0x2  }
0x11f: {  	_ =	swait.ge @!p0 [sflag:s0], s1  }
0x120: {  	s1 =	ssub.s32 @!p0 $0x0, s1;
	[sflag:s0] =	ssyncset.done @!p0 $0x0  }
0x121: {  	[sflag:s0] =	ssyncadd.s32 @!p0 s1  }
0x122: {  	[bflag:$0x3] =	sbarrier.arrive $0xFFFF  }
0x123: {  	_ =	shalt  }

</sc_bundles>
